<compile_context>
chip_gen: v7x
topology: tpu7x:2x2x1
jax: 0.10.2.dev20260603
libtpu: 0.0.44.dev20260713+nightly
codegen_flags: <defaults>
</compile_context>

<pallas_src>
import jax
import jax.numpy as jnp
from jax import lax
from jax.experimental import pallas as pl
from jax.experimental.pallas import tpu as pltpu
from jax.experimental.pallas import tpu_sc as plsc

B, ROW, COL = 1024, 200, 128
NC, NS, L = 2, 16, 16
NW = NC * NS
IMGS_PER_W = B // NW
KCOL = COL // L


def _body(tensor_hbm, rp_hbm, cp_hbm, out_hbm,
          in_v0, in_v1, out_v0, out_v1, rp_v, cp_v,
          sin0, sin1, sout0, sout1):
    wid = lax.axis_index("s") * NC + lax.axis_index("c")
    base_img = wid * IMGS_PER_W

    pltpu.sync_copy(rp_hbm, rp_v)
    pltpu.sync_copy(cp_hbm, cp_v)

    in_bufs, out_bufs = (in_v0, in_v1), (out_v0, out_v1)
    sins, souts = (sin0, sin1), (sout0, sout1)

    cps = [cp_v[pl.ds(k * L, L)] for k in range(KCOL)]

    pltpu.async_copy(tensor_hbm.at[base_img], in_v0, sin0)

    def per_pair(p, _):
        for bslot in range(2):
            t = p * 2 + bslot
            in_b, out_b = in_bufs[bslot], out_bufs[bslot]
            s_in, s_out = sins[bslot], souts[bslot]

            @pl.when(t + 1 < IMGS_PER_W)
            def _():
                pltpu.async_copy(tensor_hbm.at[base_img + t + 1],
                                 in_bufs[1 - bslot], sins[1 - bslot])

            pltpu.make_async_copy(tensor_hbm.at[base_img + t], in_b,
                                  s_in).wait()

            @pl.when(t >= 2)
            def _():
                pltpu.make_async_copy(out_b, out_hbm.at[base_img + t - 2],
                                      s_out).wait()

            @plsc.parallel_loop(0, ROW, 1, unroll=4)
            def _(i):
                row_splat = plsc.load_gather(
                    rp_v, [jnp.full((L,), i, jnp.int32)])
                for k in range(KCOL):
                    x = plsc.load_gather(in_b, [row_splat, cps[k]])
                    out_b[i, pl.ds(k * L, L)] = x

            pltpu.async_copy(out_b, out_hbm.at[base_img + t], s_out)
        return 0

    lax.fori_loop(0, IMGS_PER_W // 2, per_pair, 0)

    pltpu.make_async_copy(out_v0, out_hbm.at[base_img + IMGS_PER_W - 2],
                          sout0).wait()
    pltpu.make_async_copy(out_v1, out_hbm.at[base_img + IMGS_PER_W - 1],
                          sout1).wait()


@jax.jit
def _permute(tensor, rowperm, colperm):
    kfn = pl.kernel(
        _body,
        out_type=jax.ShapeDtypeStruct((B, ROW, COL), jnp.float32),
        mesh=plsc.VectorSubcoreMesh(core_axis_name="c", subcore_axis_name="s"),
        compiler_params=pltpu.CompilerParams(needs_layout_passes=False),
        scratch_types=[
            pltpu.VMEM((ROW, COL), jnp.float32),
            pltpu.VMEM((ROW, COL), jnp.float32),
            pltpu.VMEM((ROW, COL), jnp.float32),
            pltpu.VMEM((ROW, COL), jnp.float32),
            pltpu.VMEM((ROW,), jnp.int32),
            pltpu.VMEM((COL,), jnp.int32),
            pltpu.SemaphoreType.DMA,
            pltpu.SemaphoreType.DMA,
            pltpu.SemaphoreType.DMA,
            pltpu.SemaphoreType.DMA,
        ],
    )
    return kfn(tensor, rowperm, colperm)


def kernel(tensor, rowperm, colperm):
    return _permute(tensor, rowperm.astype(jnp.int32),
                    colperm.astype(jnp.int32))

# --- scband reference (transcript-rebuilt; emitter-appended) ---
"""Pipeline reference for scband-row-col-permute-28157805593124 (READ-ONLY COPY).

The authoritative reference and input builder live on the scoring server;
editing this copy changes nothing except your own understanding.
"""

import jax, jax.numpy as jnp
import numpy as np

ROW = 200
COL = 128

def setup_inputs(seed: int = 0) -> dict:
    key = jax.random.key(seed)
    k1, k2, k3 = jax.random.split(key, 3)
    tensor = jax.random.normal(k1, (1024, ROW, COL), dtype=jnp.float32)
    rowperm = jax.random.permutation(k2, ROW)
    colperm = jax.random.permutation(k3, COL)
    return {"tensor": tensor, "rowperm": rowperm, "colperm": colperm}

def reference(tensor, rowperm, colperm):
    # torch: tensor[:, rowperm][:, :, colperm]
    out = jnp.take(tensor, rowperm, axis=1)
    out = jnp.take(out, colperm, axis=2)
    return out

if __name__ == "__main__":
    import jax
    _d = setup_inputs()
    print(jax.jit(kernel)(*tuple(_d.values())))

</pallas_src>

<mosaic_0001>
#map = affine_map<(d0, d1) -> (0, 0, 0)>
#map1 = affine_map<(d0, d1) -> (0)>
module attributes {stable_mosaic.version = 14 : i64} {
  func.func @_body(%arg0: i32, %arg1: i32, %arg2: memref<1024x200x128xf32, #tpu.memory_space<hbm>>, %arg3: memref<200xi32, #tpu.memory_space<hbm>>, %arg4: memref<128xi32, #tpu.memory_space<hbm>>, %arg5: memref<1024x200x128xf32, #tpu.memory_space<hbm>>, %arg6: memref<200x128xf32, #tpu.memory_space<vmem>>, %arg7: memref<200x128xf32, #tpu.memory_space<vmem>>, %arg8: memref<200x128xf32, #tpu.memory_space<vmem>>, %arg9: memref<200x128xf32, #tpu.memory_space<vmem>>, %arg10: memref<200xi32, #tpu.memory_space<vmem>>, %arg11: memref<128xi32, #tpu.memory_space<vmem>>, %arg12: memref<!tpu.dma_semaphore, #tpu.memory_space<semaphore_mem>>, %arg13: memref<!tpu.dma_semaphore, #tpu.memory_space<semaphore_mem>>, %arg14: memref<!tpu.dma_semaphore, #tpu.memory_space<semaphore_mem>>, %arg15: memref<!tpu.dma_semaphore, #tpu.memory_space<semaphore_mem>>) attributes {dimension_semantics = [#tpu.dimension_semantics<core_parallel>, #tpu.dimension_semantics<subcore_parallel>], iteration_bounds = array<i64: 2, 16>, scalar_prefetch = 0 : i64, scratch_operands = 10 : i64, tpu.core_type = #tpu.core_type<sc_vector_subcore>, window_params = [{transform_indices = #map}, {transform_indices = #map1}, {transform_indices = #map1}, {transform_indices = #map}]} {
    %mul3A = arith.constant 2 : i32
    %mul3A_0 = arith.muli %arg1, %mul3A : i32
    %add3A = arith.addi %mul3A_0, %arg0 : i32
    %mul3A_1 = arith.constant 32 : i32
    %mul3A_2 = arith.muli %add3A, %mul3A_1 : i32
    "tpu.region"() ({
      %run_scoped3A = tpu.sem_alloc : memref<!tpu.dma_semaphore, #tpu.memory_space<semaphore_mem>>
      tpu.enqueue_dma source(%arg3 : memref<200xi32, #tpu.memory_space<hbm>>) target(%arg10 : memref<200xi32, #tpu.memory_space<vmem>>) target_semaphore(%run_scoped3A : memref<!tpu.dma_semaphore, #tpu.memory_space<semaphore_mem>>)
      tpu.wait_dma2 semaphore(%run_scoped3A : memref<!tpu.dma_semaphore, #tpu.memory_space<semaphore_mem>>) src(%arg3 : memref<200xi32, #tpu.memory_space<hbm>>) dst(%arg10 : memref<200xi32, #tpu.memory_space<vmem>>)
      tpu.yield
    }) : () -> ()
    "tpu.region"() ({
      %run_scoped3A = tpu.sem_alloc : memref<!tpu.dma_semaphore, #tpu.memory_space<semaphore_mem>>
      tpu.enqueue_dma source(%arg4 : memref<128xi32, #tpu.memory_space<hbm>>) target(%arg11 : memref<128xi32, #tpu.memory_space<vmem>>) target_semaphore(%run_scoped3A : memref<!tpu.dma_semaphore, #tpu.memory_space<semaphore_mem>>)
      tpu.wait_dma2 semaphore(%run_scoped3A : memref<!tpu.dma_semaphore, #tpu.memory_space<semaphore_mem>>) src(%arg4 : memref<128xi32, #tpu.memory_space<hbm>>) dst(%arg11 : memref<128xi32, #tpu.memory_space<vmem>>)
      tpu.yield
    }) : () -> ()
    %get3A = arith.constant 0 : index
    %get3A_3 = tpu.vector_load %arg11[%get3A] {strides = array<i32>} : memref<128xi32, #tpu.memory_space<vmem>>, vector<16xi32>,
    %get3A_4 = arith.constant 16 : index
    %get3A_5 = tpu.vector_load %arg11[%get3A_4] {strides = array<i32>} : memref<128xi32, #tpu.memory_space<vmem>>, vector<16xi32>,
    %get3A_6 = arith.constant 32 : index
    %get3A_7 = tpu.vector_load %arg11[%get3A_6] {strides = array<i32>} : memref<128xi32, #tpu.memory_space<vmem>>, vector<16xi32>,
    %get3A_8 = arith.constant 48 : index
    %get3A_9 = tpu.vector_load %arg11[%get3A_8] {strides = array<i32>} : memref<128xi32, #tpu.memory_space<vmem>>, vector<16xi32>,
    %get3A_10 = arith.constant 64 : index
    %get3A_11 = tpu.vector_load %arg11[%get3A_10] {strides = array<i32>} : memref<128xi32, #tpu.memory_space<vmem>>, vector<16xi32>,
    %get3A_12 = arith.constant 80 : index
    %get3A_13 = tpu.vector_load %arg11[%get3A_12] {strides = array<i32>} : memref<128xi32, #tpu.memory_space<vmem>>, vector<16xi32>,
    %get3A_14 = arith.constant 96 : index
    %get3A_15 = tpu.vector_load %arg11[%get3A_14] {strides = array<i32>} : memref<128xi32, #tpu.memory_space<vmem>>, vector<16xi32>,
    %get3A_16 = arith.constant 112 : index
    %get3A_17 = tpu.vector_load %arg11[%get3A_16] {strides = array<i32>} : memref<128xi32, #tpu.memory_space<vmem>>, vector<16xi32>,
    %dma_start3A = arith.constant 0 : i32
    %dma_start3A_18 = arith.constant 0 : i32
    %dma_start3A_19 = tpu.memref_slice %arg2[%mul3A_2, %dma_start3A, %dma_start3A_18] : memref<1024x200x128xf32, #tpu.memory_space<hbm>> -> memref<1x200x128xf32, #tpu.memory_space<hbm>>
    %dma_start3A_20 = tpu.memref_squeeze %dma_start3A_19 : memref<1x200x128xf32, #tpu.memory_space<hbm>> -> memref<200x128xf32, #tpu.memory_space<hbm>>
    %dma_start3A_21 = arith.constant 0 : i32
    %dma_start3A_22 = arith.constant 0 : i32
    %dma_start3A_23 = tpu.memref_slice %arg2[%mul3A_2, %dma_start3A_21, %dma_start3A_22] : memref<1024x200x128xf32, #tpu.memory_space<hbm>> -> memref<1x200x128xf32, #tpu.memory_space<hbm>>
    %dma_start3A_24 = tpu.memref_squeeze %dma_start3A_23 : memref<1x200x128xf32, #tpu.memory_space<hbm>> -> memref<200x128xf32, #tpu.memory_space<hbm>>
    tpu.enqueue_dma source(%dma_start3A_24 : memref<200x128xf32, #tpu.memory_space<hbm>>) target(%arg6 : memref<200x128xf32, #tpu.memory_space<vmem>>) target_semaphore(%arg12 : memref<!tpu.dma_semaphore, #tpu.memory_space<semaphore_mem>>)
    %scan3A = arith.constant 0 : i32
    %scan3A_25 = arith.constant 0 : i32
    %scan3A_26 = arith.constant 16 : i32
    %scan3A_27 = arith.addi %scan3A_25, %scan3A_26 : i32
    %scan3A_28 = arith.constant 1 : i32
    %scan3A_29 = scf.for %scan3A_53 = %scan3A_25 to %scan3A_27 step %scan3A_28 iter_args(%scan3A_54 = %scan3A) -> (i32)  : i32 {
      %mul3A_55 = arith.constant 2 : i32
      %mul3A_56 = arith.muli %scan3A_53, %mul3A_55 : i32
      %add3A_57 = arith.constant 0 : i32
      %add3A_58 = arith.addi %mul3A_56, %add3A_57 : i32
      %add3A_59 = arith.constant 1 : i32
      %add3A_60 = arith.addi %add3A_58, %add3A_59 : i32
      %lt3A = arith.constant 32 : i32
      %lt3A_61 = arith.cmpi slt, %add3A_60, %lt3A : i32
      %convert_element_type3A = arith.extui %lt3A_61 : i1 to i32
      %cond3A = arith.constant 0 : i32
      %cond3A_62 = arith.cmpi ne, %convert_element_type3A, %cond3A : i32
      scf.if %cond3A_62 {
        %add3A_125 = arith.addi %mul3A_2, %add3A_58 : i32
        %add3A_126 = arith.constant 1 : i32
        %add3A_127 = arith.addi %add3A_125, %add3A_126 : i32
        %dma_start3A_128 = arith.constant 0 : i32
        %dma_start3A_129 = arith.constant 0 : i32
        %dma_start3A_130 = tpu.memref_slice %arg2[%add3A_127, %dma_start3A_128, %dma_start3A_129] : memref<1024x200x128xf32, #tpu.memory_space<hbm>> -> memref<1x200x128xf32, #tpu.memory_space<hbm>>
        %dma_start3A_131 = tpu.memref_squeeze %dma_start3A_130 : memref<1x200x128xf32, #tpu.memory_space<hbm>> -> memref<200x128xf32, #tpu.memory_space<hbm>>
        %dma_start3A_132 = arith.constant 0 : i32
        %dma_start3A_133 = arith.constant 0 : i32
        %dma_start3A_134 = tpu.memref_slice %arg2[%add3A_127, %dma_start3A_132, %dma_start3A_133] : memref<1024x200x128xf32, #tpu.memory_space<hbm>> -> memref<1x200x128xf32, #tpu.memory_space<hbm>>
        %dma_start3A_135 = tpu.memref_squeeze %dma_start3A_134 : memref<1x200x128xf32, #tpu.memory_space<hbm>> -> memref<200x128xf32, #tpu.memory_space<hbm>>
        tpu.enqueue_dma source(%dma_start3A_135 : memref<200x128xf32, #tpu.memory_space<hbm>>) target(%arg7 : memref<200x128xf32, #tpu.memory_space<vmem>>) target_semaphore(%arg13 : memref<!tpu.dma_semaphore, #tpu.memory_space<semaphore_mem>>)
      } else {
      }
      %add3A_63 = arith.addi %mul3A_2, %add3A_58 : i32
      %dma_wait3A_64 = arith.constant 0 : i32
      %dma_wait3A_65 = arith.constant 0 : i32
      %dma_wait3A_66 = tpu.memref_slice %arg2[%add3A_63, %dma_wait3A_64, %dma_wait3A_65] : memref<1024x200x128xf32, #tpu.memory_space<hbm>> -> memref<1x200x128xf32, #tpu.memory_space<hbm>>
      %dma_wait3A_67 = tpu.memref_squeeze %dma_wait3A_66 : memref<1x200x128xf32, #tpu.memory_space<hbm>> -> memref<200x128xf32, #tpu.memory_space<hbm>>
      %dma_wait3A_68 = arith.constant 0 : i32
      %dma_wait3A_69 = arith.constant 0 : i32
      %dma_wait3A_70 = tpu.memref_slice %arg2[%add3A_63, %dma_wait3A_68, %dma_wait3A_69] : memref<1024x200x128xf32, #tpu.memory_space<hbm>> -> memref<1x200x128xf32, #tpu.memory_space<hbm>>
      %dma_wait3A_71 = tpu.memref_squeeze %dma_wait3A_70 : memref<1x200x128xf32, #tpu.memory_space<hbm>> -> memref<200x128xf32, #tpu.memory_space<hbm>>
      tpu.wait_dma2 semaphore(%arg12 : memref<!tpu.dma_semaphore, #tpu.memory_space<semaphore_mem>>) src(%dma_wait3A_71 : memref<200x128xf32, #tpu.memory_space<hbm>>) dst(%arg6 : memref<200x128xf32, #tpu.memory_space<vmem>>)
      %ge3A = arith.constant 2 : i32
      %ge3A_72 = arith.cmpi sge, %add3A_58, %ge3A : i32
      %convert_element_type3A_73 = arith.extui %ge3A_72 : i1 to i32
      %cond3A_74 = arith.constant 0 : i32
      %cond3A_75 = arith.cmpi ne, %convert_element_type3A_73, %cond3A_74 : i32
      scf.if %cond3A_75 {
        %add3A_125 = arith.addi %mul3A_2, %add3A_58 : i32
        %sub3A_126 = arith.constant 2 : i32
        %sub3A_127 = arith.subi %add3A_125, %sub3A_126 : i32
        %dma_wait3A_128 = arith.constant 0 : i32
        %dma_wait3A_129 = arith.constant 0 : i32
        %dma_wait3A_130 = tpu.memref_slice %arg5[%sub3A_127, %dma_wait3A_128, %dma_wait3A_129] : memref<1024x200x128xf32, #tpu.memory_space<hbm>> -> memref<1x200x128xf32, #tpu.memory_space<hbm>>
        %dma_wait3A_131 = tpu.memref_squeeze %dma_wait3A_130 : memref<1x200x128xf32, #tpu.memory_space<hbm>> -> memref<200x128xf32, #tpu.memory_space<hbm>>
        %dma_wait3A_132 = arith.constant 0 : i32
        %dma_wait3A_133 = arith.constant 0 : i32
        %dma_wait3A_134 = tpu.memref_slice %arg5[%sub3A_127, %dma_wait3A_132, %dma_wait3A_133] : memref<1024x200x128xf32, #tpu.memory_space<hbm>> -> memref<1x200x128xf32, #tpu.memory_space<hbm>>
        %dma_wait3A_135 = tpu.memref_squeeze %dma_wait3A_134 : memref<1x200x128xf32, #tpu.memory_space<hbm>> -> memref<200x128xf32, #tpu.memory_space<hbm>>
        tpu.wait_dma2 semaphore(%arg14 : memref<!tpu.dma_semaphore, #tpu.memory_space<semaphore_mem>>) src(%arg8 : memref<200x128xf32, #tpu.memory_space<vmem>>) dst(%dma_wait3A_135 : memref<200x128xf32, #tpu.memory_space<hbm>>)
      } else {
      }
      %parallel_loop3A = arith.constant 0 : i32
      %parallel_loop3A_76 = arith.constant 200 : i32
      %parallel_loop3A_77 = arith.constant 1 : i32
      scf.for %parallel_loop3A_125 = %parallel_loop3A to %parallel_loop3A_76 step %parallel_loop3A_77  : i32 {
        %parallel_loop3A_126 = vector.broadcast %parallel_loop3A_125 : i32 to vector<16xi32>
        %parallel_loop3A_127 = tpu.vector_load_idx %arg10[%parallel_loop3A_126] : memref<200xi32, #tpu.memory_space<vmem>>[vector<16xi32>], vector<16xi32>,
        %parallel_loop3A_128 = tpu.vector_load_idx %arg6[%parallel_loop3A_127, %get3A_3] : memref<200x128xf32, #tpu.memory_space<vmem>>[vector<16xi32>, vector<16xi32>], vector<16xf32>,
        %parallel_loop3A_129 = arith.index_cast %parallel_loop3A_125 : i32 to index
        %parallel_loop3A_130 = arith.constant 0 : index
        %parallel_loop3A_131 = tpu.vector_load %arg8[%parallel_loop3A_129, %parallel_loop3A_130] {strides = array<i32>} : memref<200x128xf32, #tpu.memory_space<vmem>>, vector<16xf32>,
        tpu.vector_store %arg8[%parallel_loop3A_129, %parallel_loop3A_130], %parallel_loop3A_128 {strides = array<i32>} : memref<200x128xf32, #tpu.memory_space<vmem>>, vector<16xf32>,
        %parallel_loop3A_132 = tpu.vector_load_idx %arg6[%parallel_loop3A_127, %get3A_5] : memref<200x128xf32, #tpu.memory_space<vmem>>[vector<16xi32>, vector<16xi32>], vector<16xf32>,
        %parallel_loop3A_133 = arith.index_cast %parallel_loop3A_125 : i32 to index
        %parallel_loop3A_134 = arith.constant 16 : index
        %parallel_loop3A_135 = tpu.vector_load %arg8[%parallel_loop3A_133, %parallel_loop3A_134] {strides = array<i32>} : memref<200x128xf32, #tpu.memory_space<vmem>>, vector<16xf32>,
        tpu.vector_store %arg8[%parallel_loop3A_133, %parallel_loop3A_134], %parallel_loop3A_132 {strides = array<i32>} : memref<200x128xf32, #tpu.memory_space<vmem>>, vector<16xf32>,
        %parallel_loop3A_136 = tpu.vector_load_idx %arg6[%parallel_loop3A_127, %get3A_7] : memref<200x128xf32, #tpu.memory_space<vmem>>[vector<16xi32>, vector<16xi32>], vector<16xf32>,
        %parallel_loop3A_137 = arith.index_cast %parallel_loop3A_125 : i32 to index
        %parallel_loop3A_138 = arith.constant 32 : index
        %parallel_loop3A_139 = tpu.vector_load %arg8[%parallel_loop3A_137, %parallel_loop3A_138] {strides = array<i32>} : memref<200x128xf32, #tpu.memory_space<vmem>>, vector<16xf32>,
        tpu.vector_store %arg8[%parallel_loop3A_137, %parallel_loop3A_138], %parallel_loop3A_136 {strides = array<i32>} : memref<200x128xf32, #tpu.memory_space<vmem>>, vector<16xf32>,
        %parallel_loop3A_140 = tpu.vector_load_idx %arg6[%parallel_loop3A_127, %get3A_9] : memref<200x128xf32, #tpu.memory_space<vmem>>[vector<16xi32>, vector<16xi32>], vector<16xf32>,
        %parallel_loop3A_141 = arith.index_cast %parallel_loop3A_125 : i32 to index
        %parallel_loop3A_142 = arith.constant 48 : index
        %parallel_loop3A_143 = tpu.vector_load %arg8[%parallel_loop3A_141, %parallel_loop3A_142] {strides = array<i32>} : memref<200x128xf32, #tpu.memory_space<vmem>>, vector<16xf32>,
        tpu.vector_store %arg8[%parallel_loop3A_141, %parallel_loop3A_142], %parallel_loop3A_140 {strides = array<i32>} : memref<200x128xf32, #tpu.memory_space<vmem>>, vector<16xf32>,
        %parallel_loop3A_144 = tpu.vector_load_idx %arg6[%parallel_loop3A_127, %get3A_11] : memref<200x128xf32, #tpu.memory_space<vmem>>[vector<16xi32>, vector<16xi32>], vector<16xf32>,
        %parallel_loop3A_145 = arith.index_cast %parallel_loop3A_125 : i32 to index
        %parallel_loop3A_146 = arith.constant 64 : index
        %parallel_loop3A_147 = tpu.vector_load %arg8[%parallel_loop3A_145, %parallel_loop3A_146] {strides = array<i32>} : memref<200x128xf32, #tpu.memory_space<vmem>>, vector<16xf32>,
        tpu.vector_store %arg8[%parallel_loop3A_145, %parallel_loop3A_146], %parallel_loop3A_144 {strides = array<i32>} : memref<200x128xf32, #tpu.memory_space<vmem>>, vector<16xf32>,
        %parallel_loop3A_148 = tpu.vector_load_idx %arg6[%parallel_loop3A_127, %get3A_13] : memref<200x128xf32, #tpu.memory_space<vmem>>[vector<16xi32>, vector<16xi32>], vector<16xf32>,
        %parallel_loop3A_149 = arith.index_cast %parallel_loop3A_125 : i32 to index
        %parallel_loop3A_150 = arith.constant 80 : index
        %parallel_loop3A_151 = tpu.vector_load %arg8[%parallel_loop3A_149, %parallel_loop3A_150] {strides = array<i32>} : memref<200x128xf32, #tpu.memory_space<vmem>>, vector<16xf32>,
        tpu.vector_store %arg8[%parallel_loop3A_149, %parallel_loop3A_150], %parallel_loop3A_148 {strides = array<i32>} : memref<200x128xf32, #tpu.memory_space<vmem>>, vector<16xf32>,
        %parallel_loop3A_152 = tpu.vector_load_idx %arg6[%parallel_loop3A_127, %get3A_15] : memref<200x128xf32, #tpu.memory_space<vmem>>[vector<16xi32>, vector<16xi32>], vector<16xf32>,
        %parallel_loop3A_153 = arith.index_cast %parallel_loop3A_125 : i32 to index
        %parallel_loop3A_154 = arith.constant 96 : index
        %parallel_loop3A_155 = tpu.vector_load %arg8[%parallel_loop3A_153, %parallel_loop3A_154] {strides = array<i32>} : memref<200x128xf32, #tpu.memory_space<vmem>>, vector<16xf32>,
        tpu.vector_store %arg8[%parallel_loop3A_153, %parallel_loop3A_154], %parallel_loop3A_152 {strides = array<i32>} : memref<200x128xf32, #tpu.memory_space<vmem>>, vector<16xf32>,
        %parallel_loop3A_156 = tpu.vector_load_idx %arg6[%parallel_loop3A_127, %get3A_17] : memref<200x128xf32, #tpu.memory_space<vmem>>[vector<16xi32>, vector<16xi32>], vector<16xf32>,
        %parallel_loop3A_157 = arith.index_cast %parallel_loop3A_125 : i32 to index
        %parallel_loop3A_158 = arith.constant 112 : index
        %parallel_loop3A_159 = tpu.vector_load %arg8[%parallel_loop3A_157, %parallel_loop3A_158] {strides = array<i32>} : memref<200x128xf32, #tpu.memory_space<vmem>>, vector<16xf32>,
        tpu.vector_store %arg8[%parallel_loop3A_157, %parallel_loop3A_158], %parallel_loop3A_156 {strides = array<i32>} : memref<200x128xf32, #tpu.memory_space<vmem>>, vector<16xf32>,
      } {sc.loop_unroll_factor = 4 : i64, sc.parallel_access}
      %add3A_78 = arith.addi %mul3A_2, %add3A_58 : i32
      %dma_start3A_79 = arith.constant 0 : i32
      %dma_start3A_80 = arith.constant 0 : i32
      %dma_start3A_81 = tpu.memref_slice %arg5[%add3A_78, %dma_start3A_79, %dma_start3A_80] : memref<1024x200x128xf32, #tpu.memory_space<hbm>> -> memref<1x200x128xf32, #tpu.memory_space<hbm>>
      %dma_start3A_82 = tpu.memref_squeeze %dma_start3A_81 : memref<1x200x128xf32, #tpu.memory_space<hbm>> -> memref<200x128xf32, #tpu.memory_space<hbm>>
      %dma_start3A_83 = arith.constant 0 : i32
      %dma_start3A_84 = arith.constant 0 : i32
      %dma_start3A_85 = tpu.memref_slice %arg5[%add3A_78, %dma_start3A_83, %dma_start3A_84] : memref<1024x200x128xf32, #tpu.memory_space<hbm>> -> memref<1x200x128xf32, #tpu.memory_space<hbm>>
      %dma_start3A_86 = tpu.memref_squeeze %dma_start3A_85 : memref<1x200x128xf32, #tpu.memory_space<hbm>> -> memref<200x128xf32, #tpu.memory_space<hbm>>
      tpu.enqueue_dma source(%arg8 : memref<200x128xf32, #tpu.memory_space<vmem>>) target(%dma_start3A_86 : memref<200x128xf32, #tpu.memory_space<hbm>>) target_semaphore(%arg14 : memref<!tpu.dma_semaphore, #tpu.memory_space<semaphore_mem>>)
      %mul3A_87 = arith.constant 2 : i32
      %mul3A_88 = arith.muli %scan3A_53, %mul3A_87 : i32
      %add3A_89 = arith.constant 1 : i32
      %add3A_90 = arith.addi %mul3A_88, %add3A_89 : i32
      %add3A_91 = arith.constant 1 : i32
      %add3A_92 = arith.addi %add3A_90, %add3A_91 : i32
      %lt3A_93 = arith.constant 32 : i32
      %lt3A_94 = arith.cmpi slt, %add3A_92, %lt3A_93 : i32
      %convert_element_type3A_95 = arith.extui %lt3A_94 : i1 to i32
      %cond3A_96 = arith.constant 0 : i32
      %cond3A_97 = arith.cmpi ne, %convert_element_type3A_95, %cond3A_96 : i32
      scf.if %cond3A_97 {
        %add3A_125 = arith.addi %mul3A_2, %add3A_90 : i32
        %add3A_126 = arith.constant 1 : i32
        %add3A_127 = arith.addi %add3A_125, %add3A_126 : i32
        %dma_start3A_128 = arith.constant 0 : i32
        %dma_start3A_129 = arith.constant 0 : i32
        %dma_start3A_130 = tpu.memref_slice %arg2[%add3A_127, %dma_start3A_128, %dma_start3A_129] : memref<1024x200x128xf32, #tpu.memory_space<hbm>> -> memref<1x200x128xf32, #tpu.memory_space<hbm>>
        %dma_start3A_131 = tpu.memref_squeeze %dma_start3A_130 : memref<1x200x128xf32, #tpu.memory_space<hbm>> -> memref<200x128xf32, #tpu.memory_space<hbm>>
        %dma_start3A_132 = arith.constant 0 : i32
        %dma_start3A_133 = arith.constant 0 : i32
        %dma_start3A_134 = tpu.memref_slice %arg2[%add3A_127, %dma_start3A_132, %dma_start3A_133] : memref<1024x200x128xf32, #tpu.memory_space<hbm>> -> memref<1x200x128xf32, #tpu.memory_space<hbm>>
        %dma_start3A_135 = tpu.memref_squeeze %dma_start3A_134 : memref<1x200x128xf32, #tpu.memory_space<hbm>> -> memref<200x128xf32, #tpu.memory_space<hbm>>
        tpu.enqueue_dma source(%dma_start3A_135 : memref<200x128xf32, #tpu.memory_space<hbm>>) target(%arg6 : memref<200x128xf32, #tpu.memory_space<vmem>>) target_semaphore(%arg12 : memref<!tpu.dma_semaphore, #tpu.memory_space<semaphore_mem>>)
      } else {
      }
      %add3A_98 = arith.addi %mul3A_2, %add3A_90 : i32
      %dma_wait3A_99 = arith.constant 0 : i32
      %dma_wait3A_100 = arith.constant 0 : i32
      %dma_wait3A_101 = tpu.memref_slice %arg2[%add3A_98, %dma_wait3A_99, %dma_wait3A_100] : memref<1024x200x128xf32, #tpu.memory_space<hbm>> -> memref<1x200x128xf32, #tpu.memory_space<hbm>>
      %dma_wait3A_102 = tpu.memref_squeeze %dma_wait3A_101 : memref<1x200x128xf32, #tpu.memory_space<hbm>> -> memref<200x128xf32, #tpu.memory_space<hbm>>
      %dma_wait3A_103 = arith.constant 0 : i32
      %dma_wait3A_104 = arith.constant 0 : i32
      %dma_wait3A_105 = tpu.memref_slice %arg2[%add3A_98, %dma_wait3A_103, %dma_wait3A_104] : memref<1024x200x128xf32, #tpu.memory_space<hbm>> -> memref<1x200x128xf32, #tpu.memory_space<hbm>>
      %dma_wait3A_106 = tpu.memref_squeeze %dma_wait3A_105 : memref<1x200x128xf32, #tpu.memory_space<hbm>> -> memref<200x128xf32, #tpu.memory_space<hbm>>
      tpu.wait_dma2 semaphore(%arg13 : memref<!tpu.dma_semaphore, #tpu.memory_space<semaphore_mem>>) src(%dma_wait3A_106 : memref<200x128xf32, #tpu.memory_space<hbm>>) dst(%arg7 : memref<200x128xf32, #tpu.memory_space<vmem>>)
      %ge3A_107 = arith.constant 2 : i32
      %ge3A_108 = arith.cmpi sge, %add3A_90, %ge3A_107 : i32
      %convert_element_type3A_109 = arith.extui %ge3A_108 : i1 to i32
      %cond3A_110 = arith.constant 0 : i32
      %cond3A_111 = arith.cmpi ne, %convert_element_type3A_109, %cond3A_110 : i32
      scf.if %cond3A_111 {
        %add3A_125 = arith.addi %mul3A_2, %add3A_90 : i32
        %sub3A_126 = arith.constant 2 : i32
        %sub3A_127 = arith.subi %add3A_125, %sub3A_126 : i32
        %dma_wait3A_128 = arith.constant 0 : i32
        %dma_wait3A_129 = arith.constant 0 : i32
        %dma_wait3A_130 = tpu.memref_slice %arg5[%sub3A_127, %dma_wait3A_128, %dma_wait3A_129] : memref<1024x200x128xf32, #tpu.memory_space<hbm>> -> memref<1x200x128xf32, #tpu.memory_space<hbm>>
        %dma_wait3A_131 = tpu.memref_squeeze %dma_wait3A_130 : memref<1x200x128xf32, #tpu.memory_space<hbm>> -> memref<200x128xf32, #tpu.memory_space<hbm>>
        %dma_wait3A_132 = arith.constant 0 : i32
        %dma_wait3A_133 = arith.constant 0 : i32
        %dma_wait3A_134 = tpu.memref_slice %arg5[%sub3A_127, %dma_wait3A_132, %dma_wait3A_133] : memref<1024x200x128xf32, #tpu.memory_space<hbm>> -> memref<1x200x128xf32, #tpu.memory_space<hbm>>
        %dma_wait3A_135 = tpu.memref_squeeze %dma_wait3A_134 : memref<1x200x128xf32, #tpu.memory_space<hbm>> -> memref<200x128xf32, #tpu.memory_space<hbm>>
        tpu.wait_dma2 semaphore(%arg15 : memref<!tpu.dma_semaphore, #tpu.memory_space<semaphore_mem>>) src(%arg9 : memref<200x128xf32, #tpu.memory_space<vmem>>) dst(%dma_wait3A_135 : memref<200x128xf32, #tpu.memory_space<hbm>>)
      } else {
      }
      %parallel_loop3A_112 = arith.constant 0 : i32
      %parallel_loop3A_113 = arith.constant 200 : i32
      %parallel_loop3A_114 = arith.constant 1 : i32
      scf.for %parallel_loop3A_125 = %parallel_loop3A_112 to %parallel_loop3A_113 step %parallel_loop3A_114  : i32 {
        %parallel_loop3A_126 = vector.broadcast %parallel_loop3A_125 : i32 to vector<16xi32>
        %parallel_loop3A_127 = tpu.vector_load_idx %arg10[%parallel_loop3A_126] : memref<200xi32, #tpu.memory_space<vmem>>[vector<16xi32>], vector<16xi32>,
        %parallel_loop3A_128 = tpu.vector_load_idx %arg7[%parallel_loop3A_127, %get3A_3] : memref<200x128xf32, #tpu.memory_space<vmem>>[vector<16xi32>, vector<16xi32>], vector<16xf32>,
        %parallel_loop3A_129 = arith.index_cast %parallel_loop3A_125 : i32 to index
        %parallel_loop3A_130 = arith.constant 0 : index
        %parallel_loop3A_131 = tpu.vector_load %arg9[%parallel_loop3A_129, %parallel_loop3A_130] {strides = array<i32>} : memref<200x128xf32, #tpu.memory_space<vmem>>, vector<16xf32>,
        tpu.vector_store %arg9[%parallel_loop3A_129, %parallel_loop3A_130], %parallel_loop3A_128 {strides = array<i32>} : memref<200x128xf32, #tpu.memory_space<vmem>>, vector<16xf32>,
        %parallel_loop3A_132 = tpu.vector_load_idx %arg7[%parallel_loop3A_127, %get3A_5] : memref<200x128xf32, #tpu.memory_space<vmem>>[vector<16xi32>, vector<16xi32>], vector<16xf32>,
        %parallel_loop3A_133 = arith.index_cast %parallel_loop3A_125 : i32 to index
        %parallel_loop3A_134 = arith.constant 16 : index
        %parallel_loop3A_135 = tpu.vector_load %arg9[%parallel_loop3A_133, %parallel_loop3A_134] {strides = array<i32>} : memref<200x128xf32, #tpu.memory_space<vmem>>, vector<16xf32>,
        tpu.vector_store %arg9[%parallel_loop3A_133, %parallel_loop3A_134], %parallel_loop3A_132 {strides = array<i32>} : memref<200x128xf32, #tpu.memory_space<vmem>>, vector<16xf32>,
        %parallel_loop3A_136 = tpu.vector_load_idx %arg7[%parallel_loop3A_127, %get3A_7] : memref<200x128xf32, #tpu.memory_space<vmem>>[vector<16xi32>, vector<16xi32>], vector<16xf32>,
        %parallel_loop3A_137 = arith.index_cast %parallel_loop3A_125 : i32 to index
        %parallel_loop3A_138 = arith.constant 32 : index
        %parallel_loop3A_139 = tpu.vector_load %arg9[%parallel_loop3A_137, %parallel_loop3A_138] {strides = array<i32>} : memref<200x128xf32, #tpu.memory_space<vmem>>, vector<16xf32>,
        tpu.vector_store %arg9[%parallel_loop3A_137, %parallel_loop3A_138], %parallel_loop3A_136 {strides = array<i32>} : memref<200x128xf32, #tpu.memory_space<vmem>>, vector<16xf32>,
        %parallel_loop3A_140 = tpu.vector_load_idx %arg7[%parallel_loop3A_127, %get3A_9] : memref<200x128xf32, #tpu.memory_space<vmem>>[vector<16xi32>, vector<16xi32>], vector<16xf32>,
        %parallel_loop3A_141 = arith.index_cast %parallel_loop3A_125 : i32 to index
        %parallel_loop3A_142 = arith.constant 48 : index
        %parallel_loop3A_143 = tpu.vector_load %arg9[%parallel_loop3A_141, %parallel_loop3A_142] {strides = array<i32>} : memref<200x128xf32, #tpu.memory_space<vmem>>, vector<16xf32>,
        tpu.vector_store %arg9[%parallel_loop3A_141, %parallel_loop3A_142], %parallel_loop3A_140 {strides = array<i32>} : memref<200x128xf32, #tpu.memory_space<vmem>>, vector<16xf32>,
        %parallel_loop3A_144 = tpu.vector_load_idx %arg7[%parallel_loop3A_127, %get3A_11] : memref<200x128xf32, #tpu.memory_space<vmem>>[vector<16xi32>, vector<16xi32>], vector<16xf32>,
        %parallel_loop3A_145 = arith.index_cast %parallel_loop3A_125 : i32 to index
        %parallel_loop3A_146 = arith.constant 64 : index
        %parallel_loop3A_147 = tpu.vector_load %arg9[%parallel_loop3A_145, %parallel_loop3A_146] {strides = array<i32>} : memref<200x128xf32, #tpu.memory_space<vmem>>, vector<16xf32>,
        tpu.vector_store %arg9[%parallel_loop3A_145, %parallel_loop3A_146], %parallel_loop3A_144 {strides = array<i32>} : memref<200x128xf32, #tpu.memory_space<vmem>>, vector<16xf32>,
        %parallel_loop3A_148 = tpu.vector_load_idx %arg7[%parallel_loop3A_127, %get3A_13] : memref<200x128xf32, #tpu.memory_space<vmem>>[vector<16xi32>, vector<16xi32>], vector<16xf32>,
        %parallel_loop3A_149 = arith.index_cast %parallel_loop3A_125 : i32 to index
        %parallel_loop3A_150 = arith.constant 80 : index
        %parallel_loop3A_151 = tpu.vector_load %arg9[%parallel_loop3A_149, %parallel_loop3A_150] {strides = array<i32>} : memref<200x128xf32, #tpu.memory_space<vmem>>, vector<16xf32>,
        tpu.vector_store %arg9[%parallel_loop3A_149, %parallel_loop3A_150], %parallel_loop3A_148 {strides = array<i32>} : memref<200x128xf32, #tpu.memory_space<vmem>>, vector<16xf32>,
        %parallel_loop3A_152 = tpu.vector_load_idx %arg7[%parallel_loop3A_127, %get3A_15] : memref<200x128xf32, #tpu.memory_space<vmem>>[vector<16xi32>, vector<16xi32>], vector<16xf32>,
        %parallel_loop3A_153 = arith.index_cast %parallel_loop3A_125 : i32 to index
        %parallel_loop3A_154 = arith.constant 96 : index
        %parallel_loop3A_155 = tpu.vector_load %arg9[%parallel_loop3A_153, %parallel_loop3A_154] {strides = array<i32>} : memref<200x128xf32, #tpu.memory_space<vmem>>, vector<16xf32>,
        tpu.vector_store %arg9[%parallel_loop3A_153, %parallel_loop3A_154], %parallel_loop3A_152 {strides = array<i32>} : memref<200x128xf32, #tpu.memory_space<vmem>>, vector<16xf32>,
        %parallel_loop3A_156 = tpu.vector_load_idx %arg7[%parallel_loop3A_127, %get3A_17] : memref<200x128xf32, #tpu.memory_space<vmem>>[vector<16xi32>, vector<16xi32>], vector<16xf32>,
        %parallel_loop3A_157 = arith.index_cast %parallel_loop3A_125 : i32 to index
        %parallel_loop3A_158 = arith.constant 112 : index
        %parallel_loop3A_159 = tpu.vector_load %arg9[%parallel_loop3A_157, %parallel_loop3A_158] {strides = array<i32>} : memref<200x128xf32, #tpu.memory_space<vmem>>, vector<16xf32>,
        tpu.vector_store %arg9[%parallel_loop3A_157, %parallel_loop3A_158], %parallel_loop3A_156 {strides = array<i32>} : memref<200x128xf32, #tpu.memory_space<vmem>>, vector<16xf32>,
      } {sc.loop_unroll_factor = 4 : i64, sc.parallel_access}
      %add3A_115 = arith.addi %mul3A_2, %add3A_90 : i32
      %dma_start3A_116 = arith.constant 0 : i32
      %dma_start3A_117 = arith.constant 0 : i32
      %dma_start3A_118 = tpu.memref_slice %arg5[%add3A_115, %dma_start3A_116, %dma_start3A_117] : memref<1024x200x128xf32, #tpu.memory_space<hbm>> -> memref<1x200x128xf32, #tpu.memory_space<hbm>>
      %dma_start3A_119 = tpu.memref_squeeze %dma_start3A_118 : memref<1x200x128xf32, #tpu.memory_space<hbm>> -> memref<200x128xf32, #tpu.memory_space<hbm>>
      %dma_start3A_120 = arith.constant 0 : i32
      %dma_start3A_121 = arith.constant 0 : i32
      %dma_start3A_122 = tpu.memref_slice %arg5[%add3A_115, %dma_start3A_120, %dma_start3A_121] : memref<1024x200x128xf32, #tpu.memory_space<hbm>> -> memref<1x200x128xf32, #tpu.memory_space<hbm>>
      %dma_start3A_123 = tpu.memref_squeeze %dma_start3A_122 : memref<1x200x128xf32, #tpu.memory_space<hbm>> -> memref<200x128xf32, #tpu.memory_space<hbm>>
      tpu.enqueue_dma source(%arg9 : memref<200x128xf32, #tpu.memory_space<vmem>>) target(%dma_start3A_123 : memref<200x128xf32, #tpu.memory_space<hbm>>) target_semaphore(%arg15 : memref<!tpu.dma_semaphore, #tpu.memory_space<semaphore_mem>>)
      %scan3A_124 = arith.constant 0 : i32
      scf.yield %scan3A_124 : i32
    }
    %scan3A_30 = arith.constant 16 : i32
    %add3A_31 = arith.constant 32 : i32
    %add3A_32 = arith.addi %mul3A_2, %add3A_31 : i32
    %sub3A = arith.constant 2 : i32
    %sub3A_33 = arith.subi %add3A_32, %sub3A : i32
    %dma_wait3A = arith.constant 0 : i32
    %dma_wait3A_34 = arith.constant 0 : i32
    %dma_wait3A_35 = tpu.memref_slice %arg5[%sub3A_33, %dma_wait3A, %dma_wait3A_34] : memref<1024x200x128xf32, #tpu.memory_space<hbm>> -> memref<1x200x128xf32, #tpu.memory_space<hbm>>
    %dma_wait3A_36 = tpu.memref_squeeze %dma_wait3A_35 : memref<1x200x128xf32, #tpu.memory_space<hbm>> -> memref<200x128xf32, #tpu.memory_space<hbm>>
    %dma_wait3A_37 = arith.constant 0 : i32
    %dma_wait3A_38 = arith.constant 0 : i32
    %dma_wait3A_39 = tpu.memref_slice %arg5[%sub3A_33, %dma_wait3A_37, %dma_wait3A_38] : memref<1024x200x128xf32, #tpu.memory_space<hbm>> -> memref<1x200x128xf32, #tpu.memory_space<hbm>>
    %dma_wait3A_40 = tpu.memref_squeeze %dma_wait3A_39 : memref<1x200x128xf32, #tpu.memory_space<hbm>> -> memref<200x128xf32, #tpu.memory_space<hbm>>
    tpu.wait_dma2 semaphore(%arg14 : memref<!tpu.dma_semaphore, #tpu.memory_space<semaphore_mem>>) src(%arg8 : memref<200x128xf32, #tpu.memory_space<vmem>>) dst(%dma_wait3A_40 : memref<200x128xf32, #tpu.memory_space<hbm>>)
    %add3A_41 = arith.constant 32 : i32
    %add3A_42 = arith.addi %mul3A_2, %add3A_41 : i32
    %sub3A_43 = arith.constant 1 : i32
    %sub3A_44 = arith.subi %add3A_42, %sub3A_43 : i32
    %dma_wait3A_45 = arith.constant 0 : i32
    %dma_wait3A_46 = arith.constant 0 : i32
    %dma_wait3A_47 = tpu.memref_slice %arg5[%sub3A_44, %dma_wait3A_45, %dma_wait3A_46] : memref<1024x200x128xf32, #tpu.memory_space<hbm>> -> memref<1x200x128xf32, #tpu.memory_space<hbm>>
    %dma_wait3A_48 = tpu.memref_squeeze %dma_wait3A_47 : memref<1x200x128xf32, #tpu.memory_space<hbm>> -> memref<200x128xf32, #tpu.memory_space<hbm>>
    %dma_wait3A_49 = arith.constant 0 : i32
    %dma_wait3A_50 = arith.constant 0 : i32
    %dma_wait3A_51 = tpu.memref_slice %arg5[%sub3A_44, %dma_wait3A_49, %dma_wait3A_50] : memref<1024x200x128xf32, #tpu.memory_space<hbm>> -> memref<1x200x128xf32, #tpu.memory_space<hbm>>
    %dma_wait3A_52 = tpu.memref_squeeze %dma_wait3A_51 : memref<1x200x128xf32, #tpu.memory_space<hbm>> -> memref<200x128xf32, #tpu.memory_space<hbm>>
    tpu.wait_dma2 semaphore(%arg15 : memref<!tpu.dma_semaphore, #tpu.memory_space<semaphore_mem>>) src(%arg9 : memref<200x128xf32, #tpu.memory_space<vmem>>) dst(%dma_wait3A_52 : memref<200x128xf32, #tpu.memory_space<hbm>>)
    return
  }
}

</mosaic_0001>

<sc_bundles>
// kernel: _permute.3.cloned.1.call-start
scs
__scs_entry_jumppad:
0x0: {  	(pc) =	sbr.rel $0x88, $3  }
0x1: {  	(tag) =	ssettag $0x0;
	lr =	simm.s32 $0x1  }
0x2: {  	[smem:$0x3F9E] =	sst lr;
	_ =	strace $0xD0000000  }
0x3: {  	_ = 	snop  }
0x4: {  	_ = 	snop  }
0x5: {  	_ = 	snop  }
0x6: {  	_ = 	snop  }
0x7: {  	_ = 	snop  }
__scs_overlays_trampoline_lowered:
0x8: {  	[smem:$0x3FAD] =	sst s0  }
0x9: {  	[smem:$0x3FAE] =	sst s1  }
0xa: {  	[smem:$0x3FAF] =	sst s2  }
0xb: {  	[smem:$0x3FB0] =	sst s3  }
0xc: {  	[smem:$0x3FB1] =	sst s4  }
0xd: {  	[smem:$0x3FB2] =	sst s5  }
0xe: {  	[smem:$0x3FB3] =	sst s6  }
0xf: {  	[smem:$0x3FB4] =	sst s7  }
0x10: {  	[smem:$0x3FB5] =	sst s8  }
0x11: {  	[smem:$0x3FB6] =	sst s9;
	s0 =	simm.s32 @!p0 $0x0  }
0x12: {  	s1 =	sld [smem:$0x3F9C];
	s0 =	simm.s32 @p0 $0x1  }
0x13: {  	[smem:$0x3FB7] =	sst s0;
	s0 =	simm.s32 @!p1 $0x0  }
0x14: {  	s2 =	sld [smem:$0x3F9B];
	s0 =	simm.s32 @p1 $0x1  }
0x15: {  	[smem:$0x3FB8] =	sst s0;
	s0 =	simm.s32 @!p2 $0x0  }
0x16: {  	s3 =	sld [smem:$0x3FDB];
	s0 =	simm.s32 @p2 $0x1  }
0x17: {  	s4 =	simm.s32 $0x1BF5;
	[smem:$0x3FBA] =	sst s0  }
0x18: {  	s0 =	sld [smem:$0x3F9D];
	_ =	swait.ge [sflag:s4], $0x0  }
0x19: {  	s7 =	sld [smem:$0x3F9E]  }
0x1a: {  	s8 =	sadd.s32 $0xFFFFE003, lr  }
0x1b: {  	s9 =	sadd.s32 $0xFFFFFEF7, lr;
	s5 =	simm.s32 $0xFFFFFFFF;
	p2 =	slt.u32 s8, $0xFFFFF086  }
0x1c: {  	p1 =	slt.u32 s9, $0xF7A;
	s5 =	simm.s32 @!p2 $0x0  }
0x1d: {  	s5 =	simm.s32 @p1 $0x1;
	p0 =	seq.s32 s7, s2  }
0x1e: {  	s7 =	smul.u32 @!p0 $0xF7A, s2;
	p2 =	seq.s32 @!p0 s5, $0x0  }
0x1f: {  	s9 =	smul.u32 $0xF7A, s1;
	s8 =	simm.s32 @!p0 $0x1BF5;
	p2 =	por !p2, p0  }
0x20: {  	[sflag:s8] =	ssyncset.s32 @!p0 $0xFFFFF086;
	s6 =	sadd.s32 @!p0 s3, s7;
	s7 =	simm.s32 @!p0 $0x108  }
0x21: {  	s3 =	sadd.s32 s3, s9;
	s6 =	sadd.s32 @!p0 $0x88, s6;
	s7 =	simm.s32 @p2 $0x1082  }
0x22: {  	[simem:s7], [sflag:s8] =	dma.local @!p0 [hbm:s6], $0xF7A  }
0x23: {  	s9 =	sor.u32 $0xD0000000, s2;
	s6 =	simm.s32 $0x108;
	_ =	swait.ge @!p0 [sflag:s8], $0x0  }
0x24: {  	s3 =	sadd.s32 $0x88, s3;
	s6 =	simm.s32 @!p1 $0x1082;
	[sflag:s4] =	ssyncset.s32 $0xFFFFF086  }
0x25: {  	[simem:s6], [sflag:s4] =	dma.local [hbm:s3], $0xF7A  }
0x26: {  	[smem:$0x3F9E] =	sst s1;
	(tag) =	ssettag s2;
	_ =	strace s9  }
0x27: {  	s1 =	sld [smem:$0x3FAE]  }
0x28: {  	s2 =	sld [smem:$0x3FAF]  }
0x29: {  	s4 =	sld [smem:$0x3FB1]  }
0x2a: {  	p0 =	seq.s32 s5, $0x0;
	s5 =	sld [smem:$0x3FB2]  }
0x2b: {  	s6 =	sld [smem:$0x3FB3]  }
0x2c: {  	s7 =	sld [smem:$0x3FB4]  }
0x2d: {  	s3 =	simm.s32 $0x108;
	s8 =	sld [smem:$0x3FB5]  }
0x2e: {  	s3 =	simm.s32 @!p0 $0x1082;
	s9 =	sld [smem:$0x3FB6]  }
0x2f: {  	lr =	sadd.s32 s0, s3;
	s0 =	sld [smem:$0x3FAD]  }
0x30: {  	s3 =	sld [smem:$0x3FB0]  }
0x31: {  	[smem:$0x3FB9] =	sst s10  }
0x32: {  	s10 =	sld [smem:$0x3FB7];
	_ =	sdelay $0x3  }
0x33: {  	p0 =	seq.s32 s10, $0x1;
	s10 =	sld [smem:$0x3FB9];
	_ =	sdelay $0x3  }
0x34: {  	[smem:$0x3FB9] =	sst s10  }
0x35: {  	s10 =	sld [smem:$0x3FB8];
	_ =	sdelay $0x3  }
0x36: {  	p1 =	seq.s32 s10, $0x1;
	s10 =	sld [smem:$0x3FB9];
	_ =	sdelay $0x3  }
0x37: {  	[smem:$0x3FB9] =	sst s10  }
0x38: {  	s10 =	sld [smem:$0x3FBA]  }
0x39: {  	_ = 	snop;
	(pc) =	sbr.ind lr, $3  }
0x3a: {  	_ = 	snop  }
0x3b: {  	_ = 	snop  }
0x3c: {  	p2 =	seq.s32 s10, $0x1;
	s10 =	sld [smem:$0x3FB9]  }
0x3d: {  	_ =	shalt  }
0x3e: {  	_ =	shalt  }
0x3f: {  	_ =	shalt  }
0x40: {  	_ =	shalt  }
0x41: {  	_ =	shalt  }
0x42: {  	_ =	shalt  }
0x43: {  	_ =	shalt  }
0x44: {  	_ =	shalt  }
0x45: {  	_ =	shalt  }
0x46: {  	_ =	shalt  }
0x47: {  	_ =	shalt  }
0x48: {  	_ =	shalt  }
0x49: {  	_ =	shalt  }
0x4a: {  	_ =	shalt  }
0x4b: {  	_ =	shalt  }
0x4c: {  	_ =	shalt  }
0x4d: {  	_ =	shalt  }
0x4e: {  	_ =	shalt  }
0x4f: {  	_ =	shalt  }
0x50: {  	_ =	shalt  }
0x51: {  	_ =	shalt  }
0x52: {  	_ =	shalt  }
0x53: {  	_ =	shalt  }
0x54: {  	_ =	shalt  }
0x55: {  	_ =	shalt  }
0x56: {  	_ =	shalt  }
0x57: {  	_ =	shalt  }
0x58: {  	_ =	shalt  }
0x59: {  	_ =	shalt  }
0x5a: {  	_ =	shalt  }
0x5b: {  	_ =	shalt  }
0x5c: {  	_ =	shalt  }
0x5d: {  	_ =	shalt  }
0x5e: {  	_ =	shalt  }
0x5f: {  	_ =	shalt  }
0x60: {  	_ =	shalt  }
0x61: {  	_ =	shalt  }
0x62: {  	_ =	shalt  }
0x63: {  	_ =	shalt  }
0x64: {  	_ =	shalt  }
0x65: {  	_ =	shalt  }
0x66: {  	_ =	shalt  }
0x67: {  	_ =	shalt  }
0x68: {  	_ =	shalt  }
0x69: {  	_ =	shalt  }
0x6a: {  	_ =	shalt  }
0x6b: {  	_ =	shalt  }
0x6c: {  	_ =	shalt  }
0x6d: {  	_ =	shalt  }
0x6e: {  	_ =	shalt  }
0x6f: {  	_ =	shalt  }
0x70: {  	_ =	shalt  }
0x71: {  	_ =	shalt  }
0x72: {  	_ =	shalt  }
0x73: {  	_ =	shalt  }
0x74: {  	_ =	shalt  }
0x75: {  	_ =	shalt  }
0x76: {  	_ =	shalt  }
0x77: {  	_ =	shalt  }
0x78: {  	_ =	shalt  }
0x79: {  	_ =	shalt  }
0x7a: {  	_ =	shalt  }
0x7b: {  	_ =	shalt  }
0x7c: {  	_ =	shalt  }
0x7d: {  	_ =	shalt  }
0x7e: {  	_ =	shalt  }
0x7f: {  	_ =	shalt  }
0x80: {  	_ =	shalt  }
0x81: {  	_ =	shalt  }
0x82: {  	_ =	shalt  }
0x83: {  	_ =	shalt  }
0x84: {  	_ =	shalt  }
0x85: {  	_ =	shalt  }
0x86: {  	_ =	shalt  }
0x87: {  	_ =	shalt  }
.Lfunc_end0:
.L_simem_size_0:
called_computation_lowered:
.L_overlay_start_0:
0x88: {  	s2 =	sld [smem:$0x3FD9]  }
0x89: {  	s3 =	sld [smem:$0x3FFE];
	_ =	sdelay $0x1  }
0x8a: {  	s1 =	srdreg.scid  }
0x8b: {  	s0 =	sand.u32 $0x1, s1  }
0x8c: {  	s18 =	sshll.u32 s0, $0xA;
	s2 =	sadd.s32 s3, s2  }
0x8d: {  	s2 =	sadd.s32 s2, s18  }
0x8e: {  	[smem:$0x3FC5] =	sst s2  }
0x8f: {  	_ = 	snop  }
0x90: {  	s2 =	sld [smem:$0x3FC9]  }
0x91: {  	s19 =	sld [smem:$0x3FC8]  }
0x92: {  	s4 =	sld [smem:$0x3FC7]  }
0x93: {  	s5 =	sld [smem:$0x3FD0];
	(tm) =	ssettm $0x1  }
0x94: {  	s6 =	sld [smem:$0x3FFB];
	_ =	sdelay $0x3  }
0x95: {  	_ =	strace s6  }
0x96: {  	s6 =	sld [smem:$0x3FFC];
	_ =	sdelay $0x3  }
0x97: {  	_ =	strace s6  }
0x98: {  	s6 =	sld [smem:$0x3FFD];
	_ =	sdelay $0x3  }
0x99: {  	_ =	strace s6  }
0x9a: {  	_ =	strace $0x8FFFFFFF  }
0x9b: {  	s20 =	sld [smem:$0x3FDB];
	_ =	sdelay $0x1  }
0x9c: {  	s7 =	simm.s32 $_scs_section_size  }
0x9d: {  	s8 =	simm.s32 $_size__tile_overlayer_lowered;
	s9 =	simm.s32 $_tile_overlayer_lowered  }
0x9e: {  	s23 =	simm.s32 $0x1BFF;
	s22 =	sshll.u32 s9, $0x1;
	s6 =	sadd.s32 s7, s20  }
0x9f: {  	s10 =	simm.s32 $0x0;
	s21 =	sshll.u32 s8, $0x1;
	s8 =	sadd.s32 s22, s6  }
0xa0: {  	[timem:s10], [sflag:s23] =	dma.local [hbm:s8], s21  }
0xa1: {  	_ =	swait.ge [sflag:s23], s21  }
0xa2: {  	s7 =	ssub.s32 $0x0, s21;
	[sflag:s23] =	ssyncset.done $0x0  }
0xa3: {  	[sflag:s23] =	ssyncadd.s32 s7;
	_ =	sdelay $0x1  }
0xa4: {  	s24 =	simm.s32 $0x1B8B  }
0xa5: {  	_ =	swait.ge [sflag:s24], $0x1  }
0xa6: {  	[sflag:s24] =	ssyncset.done $0x0  }
0xa7: {  	s25 =	simm.s32 $0x1B8E;
	[sflag:s24] =	ssyncadd.s32 $0xFFFFFFFF  }
0xa8: {  	s26 =	simm.s32 $execute0_lowered;
	[smem:$0x3FD2] =	sst s25  }
0xa9: {  	s7 =	sshll.u32 s26, $0x1;
	_ =	strace $0x80000046;
	[dreg:$0x1] =	wrdreg $0xFFFFFFFF  }
0xaa: {  	s28 =	simm.s32 $_size_execute0_lowered;
	s6 =	sadd.s32 s6, s7;
	[dreg:$0x0] =	wrdreg $0x0  }
0xab: {  	s7 =	sshll.u32 s28, $0x1;
	[dreg:$0x2] =	wrdreg s6  }
0xac: {  	[dreg:$0x3] =	wrdreg s7  }
0xad: {  	[dreg:$0x4] =	wrdreg $0xC0  }
0xae: {  	_ =	task [dreg:s10], $0x5FFFF  }
0xaf: {  	[dreg:$0x1] =	wrdreg $0xFFFFFFFF  }
0xb0: {  	[dreg:$0x0] =	wrdreg $0x60  }
0xb1: {  	[dreg:$0x2] =	wrdreg s2  }
0xb2: {  	[dreg:$0x3] =	wrdreg s19  }
0xb3: {  	[dreg:$0x4] =	wrdreg s4  }
0xb4: {  	[dreg:$0x5] =	wrdreg s5  }
0xb5: {  	[dreg:$0x6] =	wrdreg $0x9  }
0xb6: {  	_ =	task.clear_ibuf [dreg:s10], $0x7FFFF;
	_ =	strace $0x90000046  }
0xb7: {  	s29 =	simm.s32 $0x9;
	_ =	strace $0x80000048  }
0xb8: {  	_ =	swait.ge [sflag:s29], $0x1  }
0xb9: {  	[sflag:s29] =	ssyncadd.s32 $0xFFFFFFFF  }
0xba: {  	_ =	strace $0x90000048  }
0xbb: {  	_ =	sfence  }
0xbc: {  	s30 =	sld [smem:$0x0];
	_ =	sdelay $0x2  }
0xbd: {  	s31 =	sshll.u32 s1, $0xD;
	s1 =	sshrl.u32 s1, $0x2  }
0xbe: {  	s3 =	sand.u32 $0x4000, s31;
	s1 =	sadd.s32 s1, s30  }
0xbf: {  	s0 =	sor.u32 s3, s0;
	s1 =	sshll.u32 s1, $0x11  }
0xc0: {  	s0 =	sor.u32 s1, s0  }
0xc1: {  	s0 =	sadd.s32 $0x8F2B, s0  }
0xc2: {  	[sflag:s0] =	ssyncadd.remote.s32 $0x1  }
0xc3: {  	_ =	sfence.sel $0xFFFF  }
0xc4: {  	[dreg:$0x0] =	wrdreg $0xFFFFFFFF;
	(pc) =	sbr.abs _section_cstart, $3  }
0xc5: {  	[dreg:$0x1] =	wrdreg $0xFFFFFFFF  }
0xc6: {  	_ =	task.clear_ibuf [dreg:s10], $0x2FFFF;
	_ =	strace $0x9FFFFFFF  }
0xc7: {  	(tm) =	ssettm $0x7FFFFFFF  }
tec
execute0_lowered:
.L_overlay_start_1:
0x0: {  	(tag) =	ssettag $0x1  }
0x1: {  	s1 =	rddreg [dreg:$0x0]  }
0x2: {  	s2 =	rddreg [dreg:$0x1];
	s3 =	srdreg.scid  }
0x3: {  	s4 =	rddreg [dreg:$0x2];
	s0 =	stileid.u32  }
0x4: {  	s5 =	rddreg [dreg:$0x3];
	s11 =	simm.s32 $0x19000;
	s12 =	simm.s32 $0x5  }
0x5: {  	s13 =	simm.s32 $0x19100;
	s14 =	simm.s32 $0x6400;
	s15 =	simm.s32 $0x1  }
0x6: {  	s16 =	simm.s32 $0xC800;
	s17 =	simm.s32 $0x2;
	s18 =	simm.s32 $0x4  }
0x7: {  	s19 =	simm.s32 $0x12C00;
	s20 =	simm.s32 $0x3;
	s6 =	sand.u32 $0x1, s3  }
0x8: {  	s21 =	simm.s32 $0x0;
	s7 =	sshll.u32 s0, $0x6;
	s8 =	sshll.u32 s6, $0x5  }
0x9: {  	s9 =	ssub.s32 $0x2, s6;
	s6 =	sor.u32 s8, s7;
	s7 =	simm.s32 $0x0  }
0xa: {  	s31 =	sshrl.u32 s9, $0x1;
	s10 =	smul.u32 $0xC80, s6;
	[smem:$0x7FF] =	sst s7  }
0xb: {  	s3 =	rddreg [dreg:$0x4];
	s9 =	ssub.s32 s9, s31;
	_ =	strace $0x80000047  }
0xc: {  	s9 =	smax.u32 s9, $0x1;
	s8 =	sadd.s32 s1, s10;
	s10 =	sor.u32 $0x1F, s6  }
.LBB2_1:
0xd: {  	[tilespmem:s11], [sflag:$0x5] =	stream.linear.gather [hbm4b:s2+s7], $0x100, $0x38;
	[tilespmem:$0x19180] =	vst v63  }
0xe: {  	_ =	swait.ge [sflag:s12], $0x100  }
0xf: {  	[sflag:s12] =	ssyncset.done $0x0  }
0x10: {  	[sflag:s12] =	ssyncadd.s32 $0xFFFFFF00  }
0x11: {  	[tilespmem:s13], [sflag:$0x5] =	stream.linear.gather [hbm4b:s4+s7], $0x80, $0x38;
	[tilespmem:$0x19180] =	vst v63  }
0x12: {  	_ =	swait.ge [sflag:s12], $0x80  }
0x13: {  	[sflag:s12] =	ssyncset.done $0x0  }
0x14: {  	[sflag:s12] =	ssyncadd.s32 $0xFFFFFF80  }
0x15: {  	v0 =	vld [tilespmem:$0x19100]  }
0x16: {  	v1 =	vld [tilespmem:$0x19110]  }
0x17: {  	v2 =	vld [tilespmem:$0x19120]  }
0x18: {  	v3 =	vld [tilespmem:$0x19130]  }
0x19: {  	v4 =	vld [tilespmem:$0x19140]  }
0x1a: {  	v5 =	vld [tilespmem:$0x19150]  }
0x1b: {  	s22 =	simm.s32 $0x0;
	v6 =	vld [tilespmem:$0x19160]  }
0x1c: {  	v7 =	vld [tilespmem:$0x19170];
	[tilespmem:s7], [sflag:$0x1] =	stream.linear.gather [hbm4b:s8+s7], $0x6400, $0x38  }
.LBB2_2:
0x1d: {  	s23 =	sshll.u32 s22, $0x1  }
0x1e: {  	s23 =	sor.u32 s6, s23  }
0x1f: {  	s24 =	smul.u32 $0x6400, s23;
	_ =	sdelay $0x1  }
0x20: {  	s24 =	sshrl.u32 s24, $0x3  }
0x21: {  	s30 =	simm.s32 $0x2;
	s24 =	sadd.s32 s1, s24  }
0x22: {  	s25 =	simm.s32 $0x1;
	s31 =	simm.s32 $0x0;
	v8 =	vmov s30;
	s24 =	sadd.s32 $0xC80, s24  }
0x23: {  	v9 =	vmov s25;
	v8 =	vand.u32 $0xFFFFFFFE, v8;
	[tilespmem:s14], [sflag:$0x2] =	stream.linear.gather [hbm4b:s24+s7], $0x6400, $0x38;
	[tilespmem:$0x19180] =	vst v63  }
0x24: {  	v10 =	vmov s31;
	v9 =	vand.u32 $0xFFFFFFFD, v9;
	v8 =	vbroadcast v8, $0x0;
	_ =	swait.ge [sflag:s15], $0x6400  }
0x25: {  	p0 =	seq.s32 s22, $0x0;
	v10 =	vand.u32 $0xFFFFFFFC, v10;
	v9 =	vbroadcast v9, $0x0;
	[sflag:s15] =	ssyncset.done $0x0  }
0x26: {  	v10 =	vbroadcast v10, $0x0;
	s24 =	simm.s32 @!p0 $0x3;
	[sflag:s15] =	ssyncadd.s32 $0xFFFF9C00  }
0x27: {  	s26 =	simm.s32 $0x3;
	_ =	swait.ge @!p0 [sflag:s24], $0x6400  }
0x28: {  	v11 =	vmov s26;
	[sflag:s24] =	ssyncset.done @!p0 $0x0  }
0x29: {  	[sflag:s24] =	ssyncadd.s32 @!p0 $0xFFFF9C00  }
0x2a: {  	v8 =	vld.idx.msk [tilespmem:v8+s11+$0x0], $0xffff  }
0x2b: {  	v9 =	vld.idx.msk [tilespmem:v9+s11+$0x0], $0xffff  }
0x2c: {  	v10 =	vld.idx.msk [tilespmem:v10+s11+$0x0], $0xffff  }
0x2d: {  	v11 =	vld.idx.msk [tilespmem:v11+s11+$0x0], $0xffff;
	_ =	sdelay $0x1  }
0x2e: {  	v18 =	vshll.u32 v8, $0x7  }
0x2f: {  	v16 =	vshll.u32 v9, $0x7;
	v8 =	vadd.s32 v0, v18  }
0x30: {  	v12 =	vshll.u32 v10, $0x7;
	v9 =	vadd.s32 v0, v16  }
0x31: {  	v13 =	vshll.u32 v11, $0x7;
	v10 =	vadd.s32 v0, v12  }
0x32: {  	v11 =	vadd.s32 v0, v13;
	_ =	sdelay $0x1  }
0x33: {  	v8 =	vld.idx.msk [tilespmem:v8+s7+$0x0], $0xffff  }
0x34: {  	v14 =	vadd.s32 v1, v18;
	v9 =	vld.idx.msk [tilespmem:v9+s7+$0x0], $0xffff  }
0x35: {  	v15 =	vadd.s32 v1, v16;
	v10 =	vld.idx.msk [tilespmem:v10+s7+$0x0], $0xffff  }
0x36: {  	v17 =	vadd.s32 v1, v12;
	v11 =	vld.idx.msk [tilespmem:v11+s7+$0x0], $0xffff  }
0x37: {  	s26 =	simm.s32 $0xC900;
	v19 =	vadd.s32 v1, v13  }
0x38: {  	[tilespmem:s26+$0x0] =	vst v8  }
0x39: {  	[tilespmem:s26+$0xFFFFFF80] =	vst v9;
	v9 =	vld.idx.msk [tilespmem:v14+s7+$0x0], $0xffff  }
0x3a: {  	s30 =	simm.s32 $0x7;
	s31 =	simm.s32 $0x4;
	[tilespmem:s26+$0xFFFFFF00] =	vst v10;
	v10 =	vld.idx.msk [tilespmem:v15+s7+$0x0], $0xffff;
	v15 =	vadd.s32 v2, v18  }
0x3b: {  	v20 =	vadd.s32 v2, v16;
	v8 =	vmov s30;
	s30 =	simm.s32 $0x5;
	[tilespmem:s26+$0x80] =	vst v11;
	v14 =	vmov s31;
	v17 =	vld.idx.msk [tilespmem:v17+s7+$0x0], $0xffff  }
0x3c: {  	v11 =	vadd.s32 v2, v12;
	v21 =	vmov s30;
	v19 =	vld.idx.msk [tilespmem:v19+s7+$0x0], $0xffff;
	v14 =	vand.u32 $0xFFFFFFFC, v14  }
0x3d: {  	v22 =	vadd.s32 v2, v13;
	v21 =	vand.u32 $0xFFFFFFFD, v21;
	v14 =	vbroadcast v14, $0x0  }
0x3e: {  	[tilespmem:s26+$0x10] =	vst v9;
	v9 =	vbroadcast v21, $0x0  }
0x3f: {  	s31 =	simm.s32 $0x6;
	[tilespmem:s26+$0xFFFFFF90] =	vst v10;
	v10 =	vld.idx.msk [tilespmem:v15+s7+$0x0], $0xffff  }
0x40: {  	[tilespmem:s26+$0xFFFFFF10] =	vst v17;
	v17 =	vmov s31;
	v15 =	vld.idx.msk [tilespmem:v20+s7+$0x0], $0xffff;
	v20 =	vadd.s32 v3, v18  }
0x41: {  	v21 =	vadd.s32 v3, v16;
	[tilespmem:s26+$0x90] =	vst v19;
	v11 =	vld.idx.msk [tilespmem:v11+s7+$0x0], $0xffff;
	v17 =	vand.u32 $0xFFFFFFFE, v17  }
0x42: {  	v19 =	vadd.s32 v3, v12;
	v22 =	vld.idx.msk [tilespmem:v22+s7+$0x0], $0xffff;
	v17 =	vbroadcast v17, $0x0  }
0x43: {  	v14 =	vld.idx.msk [tilespmem:v14+s11+$0x0], $0xffff  }
0x44: {  	v9 =	vld.idx.msk [tilespmem:v9+s11+$0x0], $0xffff;
	[tilespmem:s26+$0x20] =	vst v10;
	v10 =	vadd.s32 v3, v13  }
0x45: {  	[tilespmem:s26+$0xFFFFFFA0] =	vst v15;
	v15 =	vld.idx.msk [tilespmem:v20+s7+$0x0], $0xffff  }
0x46: {  	[tilespmem:s26+$0xFFFFFF20] =	vst v11;
	v11 =	vld.idx.msk [tilespmem:v21+s7+$0x0], $0xffff  }
0x47: {  	v20 =	vadd.s32 v4, v18;
	v19 =	vld.idx.msk [tilespmem:v19+s7+$0x0], $0xffff  }
0x48: {  	[tilespmem:s26+$0xA0] =	vst v22;
	v21 =	vadd.s32 v4, v16;
	v17 =	vld.idx.msk [tilespmem:v17+s11+$0x0], $0xffff  }
0x49: {  	v22 =	vadd.s32 v4, v12;
	v23 =	vld.idx.msk [tilespmem:v10+s7+$0x0], $0xffff  }
0x4a: {  	v8 =	vld.idx.msk [tilespmem:v8+s11+$0x0], $0xffff;
	v10 =	vshll.u32 v14, $0x7;
	v14 =	vadd.s32 v4, v13  }
0x4b: {  	v9 =	vshll.u32 v9, $0x7;
	[tilespmem:s26+$0x30] =	vst v15;
	v15 =	vadd.s32 v0, v10  }
0x4c: {  	[tilespmem:s26+$0xFFFFFFB0] =	vst v11;
	v25 =	vadd.s32 v0, v9;
	v20 =	vld.idx.msk [tilespmem:v20+s7+$0x0], $0xffff  }
0x4d: {  	[tilespmem:s26+$0xFFFFFF30] =	vst v19;
	v19 =	vld.idx.msk [tilespmem:v21+s7+$0x0], $0xffff;
	v11 =	vshll.u32 v17, $0x7;
	v21 =	vadd.s32 v5, v18  }
0x4e: {  	s25 =	simm.s32 $0x8;
	v17 =	vld.idx.msk [tilespmem:v22+s7+$0x0], $0xffff;
	v22 =	vadd.s32 v0, v11;
	[tilespmem:s26+$0xB0] =	vst v23  }
0x4f: {  	v26 =	vmov s25;
	v8 =	vshll.u32 v8, $0x7;
	v23 =	vadd.s32 v5, v16;
	v14 =	vld.idx.msk [tilespmem:v14+s7+$0x0], $0xffff  }
0x50: {  	v26 =	vand.u32 $0xFFFFFFFC, v26;
	v24 =	vadd.s32 v0, v8;
	v27 =	vld.idx.msk [tilespmem:v15+s7+$0x0], $0xffff  }
0x51: {  	v26 =	vbroadcast v26, $0x0;
	v15 =	vadd.s32 v5, v12;
	v25 =	vld.idx.msk [tilespmem:v25+s7+$0x0], $0xffff;
	[tilespmem:s26+$0x40] =	vst v20  }
0x52: {  	v21 =	vld.idx.msk [tilespmem:v21+s7+$0x0], $0xffff  }
0x53: {  	v20 =	vadd.s32 v5, v13;
	[tilespmem:s26+$0xFFFFFFC0] =	vst v19;
	v19 =	vld.idx.msk [tilespmem:v22+s7+$0x0], $0xffff  }
0x54: {  	s30 =	simm.s32 $0xB;
	v22 =	vld.idx.msk [tilespmem:v23+s7+$0x0], $0xffff;
	v23 =	vadd.s32 v6, v18  }
0x55: {  	v28 =	vmov s30;
	v24 =	vld.idx.msk [tilespmem:v24+s7+$0x0], $0xffff;
	[tilespmem:s26+$0xFFFFFF40] =	vst v17  }
0x56: {  	v31 =	vadd.s32 v1, v9;
	v30 =	vld.idx.msk [tilespmem:v15+s7+$0x0], $0xffff  }
0x57: {  	v29 =	vadd.s32 v1, v11;
	[tilespmem:s26+$0xC0] =	vst v14;
	v14 =	vld.idx.msk [tilespmem:v26+s11+$0x0], $0xffff  }
0x58: {  	s24 =	simm.s32 $0xCB00;
	v17 =	vld.idx.msk [tilespmem:v20+s7+$0x0], $0xffff;
	v20 =	vadd.s32 v1, v10;
	[tilespmem:s26+$0x50] =	vst v21  }
0x59: {  	v26 =	vadd.s32 v1, v8;
	[tilespmem:s24+$0xFFFFFF80] =	vst v25;
	v21 =	vld.idx.msk [tilespmem:v23+s7+$0x0], $0xffff  }
0x5a: {  	v15 =	vld.idx.msk [tilespmem:v28+s11+$0x0], $0xffff;
	[tilespmem:s24+$0xFFFFFF00] =	vst v27;
	v27 =	vadd.s32 v7, v18  }
0x5b: {  	v25 =	vadd.s32 v6, v12;
	v28 =	vld.idx.msk [tilespmem:v31+s7+$0x0], $0xffff;
	[tilespmem:s24+$0x0] =	vst v19  }
0x5c: {  	[tilespmem:s24+$0x80] =	vst v24;
	v19 =	vadd.s32 v6, v16;
	v23 =	vld.idx.msk [tilespmem:v29+s7+$0x0], $0xffff  }
0x5d: {  	v32 =	vadd.s32 v2, v9;
	[tilespmem:s26+$0xFFFFFFD0] =	vst v22;
	v29 =	vld.idx.msk [tilespmem:v20+s7+$0x0], $0xffff  }
0x5e: {  	v63 =	vadd.s32 v2, v11;
	v20 =	vld.idx.msk [tilespmem:v26+s7+$0x0], $0xffff;
	[tilespmem:s26+$0x60] =	vst v21  }
0x5f: {  	s31 =	simm.s32 $0x9;
	[tilespmem:s26+$0xFFFFFF50] =	vst v30;
	v21 =	vld.idx.msk [tilespmem:v27+s7+$0x0], $0xffff;
	v27 =	vadd.s32 v2, v10  }
0x60: {  	v24 =	vadd.s32 v2, v8;
	v22 =	vmov s31;
	v18 =	vld.idx.msk [tilespmem:v25+s7+$0x0], $0xffff;
	[tilespmem:s24+$0xFFFFFF90] =	vst v28  }
0x61: {  	v25 =	vadd.s32 v6, v13;
	v19 =	vld.idx.msk [tilespmem:v19+s7+$0x0], $0xffff;
	[tilespmem:s24+$0x10] =	vst v23;
	v23 =	vand.u32 $0xFFFFFFFD, v22  }
0x62: {  	v16 =	vadd.s32 v7, v16;
	v26 =	vld.idx.msk [tilespmem:v32+s7+$0x0], $0xffff;
	v23 =	vbroadcast v23, $0x0  }
0x63: {  	s29 =	simm.s32 $0xA;
	s28 =	simm.s32 $0xC;
	s25 =	sshllo.u32 s22, $0x1;
	v22 =	vld.idx.msk [tilespmem:v63+s7+$0x0], $0xffff;
	[tilespmem:s24+$0xFFFFFF10] =	vst v29  }
.LBB2_3:
0x64: {  	p1 =	slt.u32 s28, $0xC4;
	v28 =	vmov s29;
	v27 =	vld.idx.msk [tilespmem:v27+s7+$0x0], $0xffff;
	v29 =	vadd.s32 v3, v11;
	[tilespmem:s24+$0x90] =	vst v20  }
0x65: {  	v20 =	vand.u32 $0xFFFFFFFE, v28;
	v28 =	vadd.s32 v3, v9;
	v24 =	vld.idx.msk [tilespmem:v24+s7+$0x0], $0xffff;
	[tilespmem:s26+$0xD0] =	vst v17  }
0x66: {  	v17 =	vbroadcast v20, $0x0;
	v20 =	vadd.s32 v3, v10;
	[tilespmem:s26+$0xFFFFFFE0] =	vst v19;
	v19 =	vld.idx.msk [tilespmem:v25+s7+$0x0], $0xffff  }
0x67: {  	v16 =	vld.idx.msk [tilespmem:v16+s7+$0x0], $0xffff;
	[tilespmem:s26+$0x70] =	vst v21  }
0x68: {  	v21 =	vld.idx.msk [tilespmem:v23+s11+$0x0], $0xffff;
	[tilespmem:s24+$0x20] =	vst v22;
	v22 =	vadd.s32 v3, v8  }
0x69: {  	v25 =	vadd.s32 v7, v12;
	v12 =	vmov v10;
	[tilespmem:s24+$0xFFFFFFA0] =	vst v26;
	v23 =	vld.idx.msk [tilespmem:v29+s7+$0x0], $0xffff  }
0x6a: {  	[tilespmem:s24+$0xFFFFFF20] =	vst v27;
	v26 =	vld.idx.msk [tilespmem:v28+s7+$0x0], $0xffff;
	v27 =	vadd.s32 v7, v13;
	v13 =	vmov v8  }
0x6b: {  	v28 =	vadd.s32 v4, v11;
	v20 =	vld.idx.msk [tilespmem:v20+s7+$0x0], $0xffff;
	[tilespmem:s24+$0xA0] =	vst v24  }
0x6c: {  	v24 =	vadd.s32 v4, v9;
	v17 =	vld.idx.msk [tilespmem:v17+s11+$0x0], $0xffff;
	[tilespmem:s26+$0xFFFFFF60] =	vst v18  }
0x6d: {  	v8 =	vshll.u32 v15, $0x7;
	v15 =	vadd.s32 v4, v12;
	v18 =	vld.idx.msk [tilespmem:v22+s7+$0x0], $0xffff;
	[tilespmem:s26+$0xE0] =	vst v19  }
0x6e: {  	v19 =	vadd.s32 v0, v8;
	v22 =	vld.idx.msk [tilespmem:v25+s7+$0x0], $0xffff;
	[tilespmem:s26+$0xFFFFFFF0] =	vst v16  }
0x6f: {  	v10 =	vshll.u32 v14, $0x7;
	v14 =	vadd.s32 v4, v13;
	[tilespmem:s24+$0x30] =	vst v23;
	v16 =	vld.idx.msk [tilespmem:v27+s7+$0x0], $0xffff  }
0x70: {  	v29 =	vshll.u32 v21, $0x7;
	v23 =	vadd.s32 v0, v10;
	[tilespmem:s24+$0xFFFFFFB0] =	vst v26;
	v21 =	vld.idx.msk [tilespmem:v28+s7+$0x0], $0xffff  }
0x71: {  	v25 =	vadd.s32 v0, v29;
	[tilespmem:s24+$0xFFFFFF30] =	vst v20;
	v20 =	vld.idx.msk [tilespmem:v24+s7+$0x0], $0xffff  }
0x72: {  	v24 =	vshll.u32 v17, $0x7;
	v17 =	vadd.s32 v5, v11;
	v15 =	vld.idx.msk [tilespmem:v15+s7+$0x0], $0xffff  }
0x73: {  	v26 =	vadd.s32 v0, v24;
	v19 =	vld.idx.msk [tilespmem:v19+s7+$0x0], $0xffff;
	[tilespmem:s24+$0xB0] =	vst v18  }
0x74: {  	v18 =	vadd.s32 v5, v9;
	v14 =	vld.idx.msk [tilespmem:v14+s7+$0x0], $0xffff;
	[tilespmem:s26+$0xFFFFFF70] =	vst v22  }
0x75: {  	v27 =	vadd.s32 v5, v12;
	v22 =	vmov s28;
	v23 =	vld.idx.msk [tilespmem:v23+s7+$0x0], $0xffff;
	[tilespmem:s26+$0xF0] =	vst v16;
	s26 =	smov.u32 s24  }
0x76: {  	s29 =	sadd.s32 $0x3, s28;
	v16 =	vand.u32 $0xFFFFFFFC, v22;
	v22 =	vld.idx.msk [tilespmem:v25+s7+$0x0], $0xffff;
	[tilespmem:s24+$0x40] =	vst v21;
	v21 =	vadd.s32 v5, v13  }
0x77: {  	v16 =	vbroadcast v16, $0x0;
	v25 =	vmov s29;
	[tilespmem:s24+$0xFFFFFFC0] =	vst v20;
	v20 =	vld.idx.msk [tilespmem:v17+s7+$0x0], $0xffff  }
0x78: {  	v26 =	vld.idx.msk [tilespmem:v26+s7+$0x0], $0xffff;
	[tilespmem:s24+$0xFFFFFF40] =	vst v15  }
0x79: {  	v28 =	vadd.s32 v6, v11;
	v18 =	vld.idx.msk [tilespmem:v18+s7+$0x0], $0xffff  }
0x7a: {  	v30 =	vadd.s32 v1, v24;
	v31 =	vld.idx.msk [tilespmem:v27+s7+$0x0], $0xffff;
	[tilespmem:s24+$0xC0] =	vst v14  }
0x7b: {  	v27 =	vadd.s32 v1, v29;
	v17 =	vld.idx.msk [tilespmem:v21+s7+$0x0], $0xffff  }
0x7c: {  	v21 =	vadd.s32 v1, v10;
	v15 =	vld.idx.msk [tilespmem:v25+s11+$0x0], $0xffff  }
0x7d: {  	s24 =	sadd.s32 $0x200, s24;
	v14 =	vld.idx.msk [tilespmem:v16+s11+$0x0], $0xffff;
	v16 =	vadd.s32 v1, v8;
	[tilespmem:s26+$0x50] =	vst v20  }
0x7e: {  	v25 =	vadd.s32 v6, v9;
	[tilespmem:s24+$0x0] =	vst v26;
	v26 =	vld.idx.msk [tilespmem:v28+s7+$0x0], $0xffff  }
0x7f: {  	v28 =	vadd.s32 v6, v12;
	[tilespmem:s24+$0xFFFFFF80] =	vst v22;
	v22 =	vld.idx.msk [tilespmem:v30+s7+$0x0], $0xffff  }
0x80: {  	[tilespmem:s24+$0xFFFFFF00] =	vst v23;
	v30 =	vld.idx.msk [tilespmem:v27+s7+$0x0], $0xffff;
	v23 =	vadd.s32 v7, v11;
	v11 =	vmov v24  }
0x81: {  	v32 =	vld.idx.msk [tilespmem:v21+s7+$0x0], $0xffff;
	v33 =	vadd.s32 v2, v11;
	[tilespmem:s24+$0x80] =	vst v19  }
0x82: {  	v34 =	vadd.s32 v2, v29;
	v20 =	vld.idx.msk [tilespmem:v16+s7+$0x0], $0xffff;
	[tilespmem:s26+$0xFFFFFFD0] =	vst v18  }
.Ltmp0:
0x83: {  	s29 =	sadd.s32 $0x1, s28;
	v27 =	vadd.s32 v2, v10;
	[tilespmem:s26+$0xFFFFFF50] =	vst v31;
	v19 =	vld.idx.msk [tilespmem:v25+s7+$0x0], $0xffff;
	(pc) =	sbr.rel @p1 .LBB2_3-.Ltmp0, $4  }
0x84: {  	v24 =	vadd.s32 v2, v8;
	v16 =	vmov s29;
	v18 =	vld.idx.msk [tilespmem:v28+s7+$0x0], $0xffff;
	[tilespmem:s26+$0x60] =	vst v26  }
0x85: {  	v16 =	vand.u32 $0xFFFFFFFD, v16;
	v25 =	vadd.s32 v6, v13;
	[tilespmem:s24+$0x10] =	vst v22;
	v21 =	vld.idx.msk [tilespmem:v23+s7+$0x0], $0xffff  }
0x86: {  	v23 =	vbroadcast v16, $0x0;
	v16 =	vadd.s32 v7, v9;
	v9 =	vmov v29;
	[tilespmem:s24+$0xFFFFFF90] =	vst v30;
	v22 =	vld.idx.msk [tilespmem:v33+s7+$0x0], $0xffff  }
0x87: {  	s29 =	sadd.s32 $0x2, s28;
	s28 =	sadd.s32 $0x4, s28;
	[tilespmem:s24+$0xFFFFFF10] =	vst v32;
	v26 =	vld.idx.msk [tilespmem:v34+s7+$0x0], $0xffff  }
0x88: {  	_ =	sdelay $0x1  }
0x89: {  	v28 =	vmov s29  }
0x8a: {  	v28 =	vand.u32 $0xFFFFFFFE, v28  }
0x8b: {  	v27 =	vld.idx.msk [tilespmem:v27+s7+$0x0], $0xffff;
	[tilespmem:s24+$0x90] =	vst v20;
	v53 =	vadd.s32 v3, v11;
	v28 =	vbroadcast v28, $0x0  }
0x8c: {  	[tilespmem:s26+$0xD0] =	vst v17;
	v23 =	vld.idx.msk [tilespmem:v23+s11+$0x0], $0xffff  }
0x8d: {  	v54 =	vadd.s32 v3, v9;
	[tilespmem:s26+$0xFFFFFFE0] =	vst v19;
	v24 =	vld.idx.msk [tilespmem:v24+s7+$0x0], $0xffff  }
0x8e: {  	v12 =	vadd.s32 v7, v12;
	v55 =	vld.idx.msk [tilespmem:v25+s7+$0x0], $0xffff;
	[tilespmem:s26+$0xFFFFFF60] =	vst v18  }
0x8f: {  	v56 =	vadd.s32 v3, v10;
	v59 =	vld.idx.msk [tilespmem:v16+s7+$0x0], $0xffff;
	[tilespmem:s24+$0x20] =	vst v22  }
0x90: {  	v58 =	vadd.s32 v3, v8;
	[tilespmem:s26+$0x70] =	vst v21;
	v20 =	vld.idx.msk [tilespmem:v53+s7+$0x0], $0xffff  }
0x91: {  	v60 =	vadd.s32 v7, v13;
	v13 =	vshll.u32 v14, $0x7;
	[tilespmem:s24+$0xFFFFFFA0] =	vst v26;
	v57 =	vld.idx.msk [tilespmem:v28+s11+$0x0], $0xffff  }
0x92: {  	v35 =	vadd.s32 v0, v13;
	[tilespmem:s24+$0xFFFFFF20] =	vst v27;
	v61 =	vld.idx.msk [tilespmem:v54+s7+$0x0], $0xffff  }
0x93: {  	v29 =	vadd.s32 v4, v11;
	v32 =	vld.idx.msk [tilespmem:v12+s7+$0x0], $0xffff;
	[tilespmem:s24+$0xA0] =	vst v24  }
0x94: {  	v63 =	vadd.s32 v4, v9;
	v16 =	vshll.u32 v23, $0x7;
	v62 =	vld.idx.msk [tilespmem:v56+s7+$0x0], $0xffff;
	[tilespmem:s26+$0xE0] =	vst v55  }
0x95: {  	v12 =	vshll.u32 v15, $0x7;
	[tilespmem:s26+$0xFFFFFFF0] =	vst v59;
	v33 =	vadd.s32 v0, v16;
	v30 =	vld.idx.msk [tilespmem:v58+s7+$0x0], $0xffff  }
0x96: {  	v36 =	vadd.s32 v0, v12;
	v34 =	vld.idx.msk [tilespmem:v60+s7+$0x0], $0xffff;
	[tilespmem:s24+$0x30] =	vst v20;
	v17 =	vshll.u32 v57, $0x7  }
0x97: {  	[tilespmem:s24+$0xFFFFFFB0] =	vst v61;
	v20 =	vld.idx.msk [tilespmem:v35+s7+$0x0], $0xffff;
	v31 =	vadd.s32 v0, v17  }
0x98: {  	v38 =	vadd.s32 v4, v10;
	[tilespmem:s26+$0xFFFFFF70] =	vst v32;
	v37 =	vld.idx.msk [tilespmem:v29+s7+$0x0], $0xffff  }
0x99: {  	v40 =	vadd.s32 v4, v8;
	[tilespmem:s24+$0xFFFFFF30] =	vst v62;
	v39 =	vld.idx.msk [tilespmem:v63+s7+$0x0], $0xffff  }
0x9a: {  	v45 =	vadd.s32 v1, v13;
	v14 =	vld.idx.msk [tilespmem:v33+s7+$0x0], $0xffff;
	[tilespmem:s24+$0xB0] =	vst v30  }
0x9b: {  	s31 =	sadd.s32 $0x200, s24;
	v43 =	vadd.s32 v1, v16;
	v44 =	vld.idx.msk [tilespmem:v36+s7+$0x0], $0xffff;
	[tilespmem:s26+$0xF0] =	vst v34  }
0x9c: {  	v47 =	vadd.s32 v1, v12;
	[tilespmem:s31+$0xFFFFFF00] =	vst v20;
	v41 =	vld.idx.msk [tilespmem:v31+s7+$0x0], $0xffff  }
0x9d: {  	v46 =	vld.idx.msk [tilespmem:v38+s7+$0x0], $0xffff;
	v42 =	vadd.s32 v1, v17;
	[tilespmem:s24+$0x40] =	vst v37  }
0x9e: {  	v48 =	vadd.s32 v5, v11;
	v25 =	vld.idx.msk [tilespmem:v40+s7+$0x0], $0xffff;
	[tilespmem:s24+$0xFFFFFFC0] =	vst v39  }
0x9f: {  	v49 =	vadd.s32 v5, v9;
	[tilespmem:s31+$0xFFFFFF80] =	vst v14;
	v20 =	vld.idx.msk [tilespmem:v45+s7+$0x0], $0xffff  }
0xa0: {  	v54 =	vadd.s32 v2, v13;
	[tilespmem:s31+$0x80] =	vst v44;
	v15 =	vld.idx.msk [tilespmem:v43+s7+$0x0], $0xffff  }
0xa1: {  	v52 =	vadd.s32 v2, v16;
	v53 =	vld.idx.msk [tilespmem:v47+s7+$0x0], $0xffff;
	[tilespmem:s31+$0x0] =	vst v41  }
0xa2: {  	v56 =	vadd.s32 v2, v12;
	[tilespmem:s24+$0xFFFFFF40] =	vst v46;
	v50 =	vld.idx.msk [tilespmem:v42+s7+$0x0], $0xffff  }
0xa3: {  	v51 =	vadd.s32 v2, v17;
	v55 =	vld.idx.msk [tilespmem:v48+s7+$0x0], $0xffff;
	[tilespmem:s24+$0xC0] =	vst v25  }
0xa4: {  	v57 =	vadd.s32 v5, v10;
	v18 =	vld.idx.msk [tilespmem:v49+s7+$0x0], $0xffff;
	[tilespmem:s31+$0xFFFFFF10] =	vst v20  }
0xa5: {  	v58 =	vadd.s32 v6, v11;
	[tilespmem:s31+$0xFFFFFF90] =	vst v15;
	v62 =	vld.idx.msk [tilespmem:v54+s7+$0x0], $0xffff  }
0xa6: {  	v29 =	vadd.s32 v3, v13;
	[tilespmem:s31+$0x90] =	vst v53;
	v60 =	vld.idx.msk [tilespmem:v52+s7+$0x0], $0xffff  }
0xa7: {  	v63 =	vadd.s32 v3, v16;
	v28 =	vld.idx.msk [tilespmem:v56+s7+$0x0], $0xffff;
	[tilespmem:s31+$0x10] =	vst v50  }
0xa8: {  	v31 =	vadd.s32 v3, v12;
	[tilespmem:s24+$0x50] =	vst v55;
	v59 =	vld.idx.msk [tilespmem:v51+s7+$0x0], $0xffff  }
0xa9: {  	v61 =	vadd.s32 v3, v17;
	v30 =	vld.idx.msk [tilespmem:v57+s7+$0x0], $0xffff;
	[tilespmem:s24+$0xFFFFFFD0] =	vst v18  }
0xaa: {  	v32 =	vadd.s32 v5, v8;
	v14 =	vld.idx.msk [tilespmem:v58+s7+$0x0], $0xffff;
	[tilespmem:s31+$0xFFFFFF20] =	vst v62  }
0xab: {  	v33 =	vadd.s32 v6, v9;
	[tilespmem:s31+$0xFFFFFFA0] =	vst v60;
	v37 =	vld.idx.msk [tilespmem:v29+s7+$0x0], $0xffff  }
0xac: {  	v39 =	vadd.s32 v4, v13;
	[tilespmem:s31+$0xA0] =	vst v28;
	v35 =	vld.idx.msk [tilespmem:v63+s7+$0x0], $0xffff  }
0xad: {  	v38 =	vadd.s32 v4, v16;
	v18 =	vld.idx.msk [tilespmem:v31+s7+$0x0], $0xffff;
	[tilespmem:s31+$0x20] =	vst v59  }
0xae: {  	[tilespmem:s24+$0xFFFFFF50] =	vst v30;
	v41 =	vadd.s32 v4, v12;
	v34 =	vld.idx.msk [tilespmem:v61+s7+$0x0], $0xffff  }
0xaf: {  	v36 =	vadd.s32 v4, v17;
	v40 =	vld.idx.msk [tilespmem:v32+s7+$0x0], $0xffff;
	[tilespmem:s24+$0x60] =	vst v14  }
0xb0: {  	v43 =	vadd.s32 v6, v10;
	v15 =	vld.idx.msk [tilespmem:v33+s7+$0x0], $0xffff;
	[tilespmem:s31+$0xFFFFFF30] =	vst v37  }
0xb1: {  	v42 =	vadd.s32 v7, v11;
	[tilespmem:s31+$0xFFFFFFB0] =	vst v35;
	v47 =	vld.idx.msk [tilespmem:v39+s7+$0x0], $0xffff  }
0xb2: {  	v49 =	vadd.s32 v5, v13;
	[tilespmem:s31+$0xB0] =	vst v18;
	v45 =	vld.idx.msk [tilespmem:v38+s7+$0x0], $0xffff  }
0xb3: {  	v48 =	vadd.s32 v5, v16;
	v14 =	vld.idx.msk [tilespmem:v41+s7+$0x0], $0xffff;
	[tilespmem:s31+$0x30] =	vst v34  }
0xb4: {  	[tilespmem:s24+$0xD0] =	vst v40;
	v50 =	vadd.s32 v5, v12;
	v44 =	vld.idx.msk [tilespmem:v36+s7+$0x0], $0xffff  }
0xb5: {  	v46 =	vadd.s32 v5, v17;
	v19 =	vld.idx.msk [tilespmem:v43+s7+$0x0], $0xffff;
	[tilespmem:s24+$0xFFFFFFE0] =	vst v15  }
0xb6: {  	v52 =	vadd.s32 v7, v9;
	v11 =	vld.idx.msk [tilespmem:v42+s7+$0x0], $0xffff;
	[tilespmem:s31+$0xFFFFFF40] =	vst v47  }
0xb7: {  	v51 =	vadd.s32 v6, v8;
	[tilespmem:s31+$0xFFFFFFC0] =	vst v45;
	v54 =	vld.idx.msk [tilespmem:v49+s7+$0x0], $0xffff  }
0xb8: {  	v57 =	vadd.s32 v6, v13;
	[tilespmem:s31+$0xC0] =	vst v14;
	v18 =	vld.idx.msk [tilespmem:v48+s7+$0x0], $0xffff  }
0xb9: {  	v55 =	vadd.s32 v6, v16;
	v56 =	vld.idx.msk [tilespmem:v50+s7+$0x0], $0xffff;
	[tilespmem:s31+$0x40] =	vst v44  }
0xba: {  	[tilespmem:s24+$0xFFFFFF60] =	vst v19;
	v59 =	vadd.s32 v6, v12;
	v20 =	vld.idx.msk [tilespmem:v46+s7+$0x0], $0xffff  }
0xbb: {  	v53 =	vadd.s32 v6, v17;
	v9 =	vld.idx.msk [tilespmem:v52+s7+$0x0], $0xffff;
	[tilespmem:s24+$0x70] =	vst v11  }
0xbc: {  	v60 =	vadd.s32 v7, v10;
	v58 =	vld.idx.msk [tilespmem:v51+s7+$0x0], $0xffff;
	[tilespmem:s31+$0xFFFFFF50] =	vst v54  }
0xbd: {  	v8 =	vadd.s32 v7, v8;
	[tilespmem:s31+$0xFFFFFFD0] =	vst v18;
	v15 =	vld.idx.msk [tilespmem:v57+s7+$0x0], $0xffff  }
0xbe: {  	v13 =	vadd.s32 v7, v13;
	[tilespmem:s31+$0xD0] =	vst v56;
	v14 =	vld.idx.msk [tilespmem:v55+s7+$0x0], $0xffff  }
0xbf: {  	v16 =	vadd.s32 v7, v16;
	v11 =	vld.idx.msk [tilespmem:v59+s7+$0x0], $0xffff;
	[tilespmem:s31+$0x50] =	vst v20  }
0xc0: {  	[tilespmem:s24+$0xFFFFFFF0] =	vst v9;
	v61 =	vadd.s32 v7, v12;
	v20 =	vld.idx.msk [tilespmem:v53+s7+$0x0], $0xffff  }
0xc1: {  	v17 =	vadd.s32 v7, v17;
	v10 =	vld.idx.msk [tilespmem:v60+s7+$0x0], $0xffff;
	[tilespmem:s24+$0xE0] =	vst v58  }
0xc2: {  	v8 =	vld.idx.msk [tilespmem:v8+s7+$0x0], $0xffff;
	[tilespmem:s31+$0xFFFFFF60] =	vst v15  }
0xc3: {  	[tilespmem:s31+$0xFFFFFFE0] =	vst v14;
	v63 =	vld.idx.msk [tilespmem:v13+s7+$0x0], $0xffff  }
0xc4: {  	[tilespmem:s31+$0xE0] =	vst v11;
	v14 =	vld.idx.msk [tilespmem:v16+s7+$0x0], $0xffff  }
0xc5: {  	v9 =	vld.idx.msk [tilespmem:v61+s7+$0x0], $0xffff;
	[tilespmem:s31+$0x60] =	vst v20  }
0xc6: {  	[tilespmem:s24+$0xFFFFFF70] =	vst v10;
	v62 =	vld.idx.msk [tilespmem:v17+s7+$0x0], $0xffff  }
0xc7: {  	p1 =	sne.s32 s22, $0xF;
	[tilespmem:s24+$0xF0] =	vst v8  }
.Ltmp1:
0xc8: {  	[tilespmem:s31+$0xFFFFFF70] =	vst v63;
	(pc) =	sbr.rel @p1 .LBB2_6-.Ltmp1, $4  }
0xc9: {  	s23 =	smul.u32 $0xC80, s23;
	[tilespmem:s31+$0xFFFFFFF0] =	vst v14  }
0xca: {  	[tilespmem:s31+$0xF0] =	vst v9  }
0xcb: {  	s23 =	sadd.s32 s5, s23;
	[tilespmem:s31+$0x70] =	vst v62  }
0xcc: {  	[hbm4b:s23+s7] =	stream.linear.scatter [tilespmem:s16], [sflag:$0x3], $0x6400, $0x38;
	[tilespmem:$0x19180] =	vst v63  }
.Ltmp2:
0xcd: {  	(pc) =	sbr.rel .LBB2_7-.Ltmp2, $4  }
0xce: {  	_ = 	snop  }
0xcf: {  	_ =	swait.ge [sflag:s17], $0x6400  }
0xd0: {  	[sflag:s17] =	ssyncset.done $0x0  }
0xd1: {  	s23 =	smov.u32 s10;
	[sflag:s17] =	ssyncadd.s32 $0xFFFF9C00  }
.LBB2_6:
0xd2: {  	s23 =	sadd.s32 s6, s25  }
0xd3: {  	s24 =	smul.u32 $0x6400, s23;
	_ =	sdelay $0x1  }
0xd4: {  	s24 =	sshrl.u32 s24, $0x3  }
0xd5: {  	s24 =	sadd.s32 s1, s24  }
.Ltmp3:
0xd6: {  	s24 =	sadd.s32 $0xC80, s24;
	(pc) =	sbr.rel @p0 .LBB2_8-.Ltmp3, $4  }
0xd7: {  	[tilespmem:s7], [sflag:$0x1] =	stream.linear.gather [hbm4b:s24+s7], $0x6400, $0x38;
	[tilespmem:$0x19180] =	vst v63  }
0xd8: {  	_ =	swait.ge [sflag:s17], $0x6400  }
0xd9: {  	[sflag:s17] =	ssyncset.done $0x0  }
0xda: {  	[sflag:s17] =	ssyncadd.s32 $0xFFFF9C00  }
.LBB2_7:
0xdb: {  	_ =	swait.ge [sflag:s18], $0x6400  }
0xdc: {  	[sflag:s18] =	ssyncset.done $0x0  }
0xdd: {  	[sflag:s18] =	ssyncadd.s32 $0xFFFF9C00  }
.LBB2_8:
0xde: {  	s24 =	simm.s32 $0x2  }
0xdf: {  	s25 =	simm.s32 $0x1;
	v8 =	vmov s24  }
0xe0: {  	s26 =	simm.s32 $0x0;
	v9 =	vmov s25;
	v8 =	vand.u32 $0xFFFFFFFE, v8  }
0xe1: {  	v10 =	vmov s26;
	v9 =	vand.u32 $0xFFFFFFFD, v9;
	v8 =	vbroadcast v8, $0x0  }
0xe2: {  	v10 =	vand.u32 $0xFFFFFFFC, v10;
	v9 =	vbroadcast v9, $0x0  }
0xe3: {  	v10 =	vbroadcast v10, $0x0  }
0xe4: {  	s29 =	simm.s32 $0x3  }
0xe5: {  	v11 =	vmov s29;
	_ =	sdelay $0x1  }
0xe6: {  	v8 =	vld.idx.msk [tilespmem:v8+s11+$0x0], $0xffff  }
0xe7: {  	v9 =	vld.idx.msk [tilespmem:v9+s11+$0x0], $0xffff  }
0xe8: {  	v10 =	vld.idx.msk [tilespmem:v10+s11+$0x0], $0xffff  }
0xe9: {  	v11 =	vld.idx.msk [tilespmem:v11+s11+$0x0], $0xffff;
	_ =	sdelay $0x1  }
0xea: {  	v18 =	vshll.u32 v8, $0x7  }
0xeb: {  	v16 =	vshll.u32 v9, $0x7;
	v8 =	vadd.s32 v0, v18  }
0xec: {  	v12 =	vshll.u32 v10, $0x7;
	v9 =	vadd.s32 v0, v16  }
0xed: {  	v13 =	vshll.u32 v11, $0x7;
	v10 =	vadd.s32 v0, v12  }
0xee: {  	v11 =	vadd.s32 v0, v13;
	_ =	sdelay $0x1  }
0xef: {  	v8 =	vld.idx.msk [tilespmem:v8+s14+$0x0], $0xffff  }
0xf0: {  	v14 =	vadd.s32 v1, v18;
	v9 =	vld.idx.msk [tilespmem:v9+s14+$0x0], $0xffff  }
0xf1: {  	v15 =	vadd.s32 v1, v16;
	v10 =	vld.idx.msk [tilespmem:v10+s14+$0x0], $0xffff  }
0xf2: {  	v17 =	vadd.s32 v1, v12;
	v11 =	vld.idx.msk [tilespmem:v11+s14+$0x0], $0xffff  }
0xf3: {  	s25 =	simm.s32 $0x12D00;
	v19 =	vadd.s32 v1, v13  }
0xf4: {  	[tilespmem:s25+$0x0] =	vst v8  }
0xf5: {  	[tilespmem:s25+$0xFFFFFF80] =	vst v9;
	v9 =	vld.idx.msk [tilespmem:v14+s14+$0x0], $0xffff  }
0xf6: {  	s26 =	simm.s32 $0x4;
	[tilespmem:s25+$0xFFFFFF00] =	vst v10;
	v10 =	vld.idx.msk [tilespmem:v15+s14+$0x0], $0xffff;
	v15 =	vadd.s32 v2, v18  }
0xf7: {  	s31 =	simm.s32 $0x5;
	v20 =	vadd.s32 v2, v16;
	[tilespmem:s25+$0x80] =	vst v11;
	v14 =	vmov s26;
	v17 =	vld.idx.msk [tilespmem:v17+s14+$0x0], $0xffff  }
0xf8: {  	v21 =	vmov s31;
	v11 =	vadd.s32 v2, v12;
	v19 =	vld.idx.msk [tilespmem:v19+s14+$0x0], $0xffff;
	v14 =	vand.u32 $0xFFFFFFFC, v14  }
0xf9: {  	v21 =	vand.u32 $0xFFFFFFFD, v21;
	v22 =	vadd.s32 v2, v13;
	v14 =	vbroadcast v14, $0x0  }
0xfa: {  	[tilespmem:s25+$0x10] =	vst v9;
	v9 =	vbroadcast v21, $0x0  }
0xfb: {  	s26 =	simm.s32 $0x6;
	[tilespmem:s25+$0xFFFFFF90] =	vst v10;
	v10 =	vld.idx.msk [tilespmem:v15+s14+$0x0], $0xffff  }
0xfc: {  	[tilespmem:s25+$0xFFFFFF10] =	vst v17;
	v17 =	vmov s26;
	v15 =	vld.idx.msk [tilespmem:v20+s14+$0x0], $0xffff;
	v20 =	vadd.s32 v3, v18  }
0xfd: {  	[tilespmem:s25+$0x90] =	vst v19;
	v21 =	vadd.s32 v3, v16;
	v11 =	vld.idx.msk [tilespmem:v11+s14+$0x0], $0xffff;
	v17 =	vand.u32 $0xFFFFFFFE, v17  }
0xfe: {  	v19 =	vadd.s32 v3, v12;
	v22 =	vld.idx.msk [tilespmem:v22+s14+$0x0], $0xffff;
	v17 =	vbroadcast v17, $0x0  }
0xff: {  	v14 =	vld.idx.msk [tilespmem:v14+s11+$0x0], $0xffff  }
0x100: {  	s30 =	simm.s32 $0x7;
	v9 =	vld.idx.msk [tilespmem:v9+s11+$0x0], $0xffff;
	[tilespmem:s25+$0x20] =	vst v10;
	v10 =	vadd.s32 v3, v13  }
0x101: {  	v8 =	vmov s30;
	[tilespmem:s25+$0xFFFFFFA0] =	vst v15;
	v15 =	vld.idx.msk [tilespmem:v20+s14+$0x0], $0xffff  }
0x102: {  	[tilespmem:s25+$0xFFFFFF20] =	vst v11;
	v11 =	vld.idx.msk [tilespmem:v21+s14+$0x0], $0xffff  }
0x103: {  	v20 =	vadd.s32 v4, v18;
	v19 =	vld.idx.msk [tilespmem:v19+s14+$0x0], $0xffff  }
0x104: {  	[tilespmem:s25+$0xA0] =	vst v22;
	v21 =	vadd.s32 v4, v16;
	v17 =	vld.idx.msk [tilespmem:v17+s11+$0x0], $0xffff  }
0x105: {  	v22 =	vadd.s32 v4, v12;
	v23 =	vld.idx.msk [tilespmem:v10+s14+$0x0], $0xffff  }
0x106: {  	v8 =	vld.idx.msk [tilespmem:v8+s11+$0x0], $0xffff;
	v10 =	vshll.u32 v14, $0x7;
	v14 =	vadd.s32 v4, v13  }
0x107: {  	v9 =	vshll.u32 v9, $0x7;
	[tilespmem:s25+$0x30] =	vst v15;
	v15 =	vadd.s32 v0, v10  }
0x108: {  	[tilespmem:s25+$0xFFFFFFB0] =	vst v11;
	v25 =	vadd.s32 v0, v9;
	v20 =	vld.idx.msk [tilespmem:v20+s14+$0x0], $0xffff  }
0x109: {  	[tilespmem:s25+$0xFFFFFF30] =	vst v19;
	v19 =	vld.idx.msk [tilespmem:v21+s14+$0x0], $0xffff;
	v11 =	vshll.u32 v17, $0x7;
	v21 =	vadd.s32 v5, v18  }
0x10a: {  	s29 =	simm.s32 $0x8;
	v17 =	vld.idx.msk [tilespmem:v22+s14+$0x0], $0xffff;
	v22 =	vadd.s32 v0, v11;
	[tilespmem:s25+$0xB0] =	vst v23  }
0x10b: {  	v26 =	vmov s29;
	v8 =	vshll.u32 v8, $0x7;
	v23 =	vadd.s32 v5, v16;
	v14 =	vld.idx.msk [tilespmem:v14+s14+$0x0], $0xffff  }
0x10c: {  	v26 =	vand.u32 $0xFFFFFFFC, v26;
	v24 =	vadd.s32 v0, v8;
	v27 =	vld.idx.msk [tilespmem:v15+s14+$0x0], $0xffff  }
0x10d: {  	v26 =	vbroadcast v26, $0x0;
	v15 =	vadd.s32 v5, v12;
	v25 =	vld.idx.msk [tilespmem:v25+s14+$0x0], $0xffff;
	[tilespmem:s25+$0x40] =	vst v20  }
0x10e: {  	v21 =	vld.idx.msk [tilespmem:v21+s14+$0x0], $0xffff  }
0x10f: {  	v20 =	vadd.s32 v5, v13;
	[tilespmem:s25+$0xFFFFFFC0] =	vst v19;
	v19 =	vld.idx.msk [tilespmem:v22+s14+$0x0], $0xffff  }
0x110: {  	s30 =	simm.s32 $0xB;
	v22 =	vld.idx.msk [tilespmem:v23+s14+$0x0], $0xffff;
	v23 =	vadd.s32 v6, v18  }
0x111: {  	v28 =	vmov s30;
	v24 =	vld.idx.msk [tilespmem:v24+s14+$0x0], $0xffff;
	[tilespmem:s25+$0xFFFFFF40] =	vst v17  }
0x112: {  	v31 =	vadd.s32 v1, v9;
	v30 =	vld.idx.msk [tilespmem:v15+s14+$0x0], $0xffff  }
0x113: {  	v29 =	vadd.s32 v1, v11;
	[tilespmem:s25+$0xC0] =	vst v14;
	v14 =	vld.idx.msk [tilespmem:v26+s11+$0x0], $0xffff  }
0x114: {  	s24 =	simm.s32 $0x12F00;
	v17 =	vld.idx.msk [tilespmem:v20+s14+$0x0], $0xffff;
	v20 =	vadd.s32 v1, v10;
	[tilespmem:s25+$0x50] =	vst v21  }
0x115: {  	v26 =	vadd.s32 v1, v8;
	[tilespmem:s24+$0xFFFFFF80] =	vst v25;
	v21 =	vld.idx.msk [tilespmem:v23+s14+$0x0], $0xffff  }
0x116: {  	v15 =	vld.idx.msk [tilespmem:v28+s11+$0x0], $0xffff;
	[tilespmem:s24+$0xFFFFFF00] =	vst v27;
	v27 =	vadd.s32 v7, v18  }
0x117: {  	v25 =	vadd.s32 v6, v12;
	v28 =	vld.idx.msk [tilespmem:v31+s14+$0x0], $0xffff;
	[tilespmem:s24+$0x0] =	vst v19  }
0x118: {  	[tilespmem:s24+$0x80] =	vst v24;
	v19 =	vadd.s32 v6, v16;
	v23 =	vld.idx.msk [tilespmem:v29+s14+$0x0], $0xffff  }
0x119: {  	v32 =	vadd.s32 v2, v9;
	[tilespmem:s25+$0xFFFFFFD0] =	vst v22;
	v29 =	vld.idx.msk [tilespmem:v20+s14+$0x0], $0xffff  }
0x11a: {  	v63 =	vadd.s32 v2, v11;
	v20 =	vld.idx.msk [tilespmem:v26+s14+$0x0], $0xffff;
	[tilespmem:s25+$0x60] =	vst v21  }
0x11b: {  	s31 =	simm.s32 $0x9;
	[tilespmem:s25+$0xFFFFFF50] =	vst v30;
	v21 =	vld.idx.msk [tilespmem:v27+s14+$0x0], $0xffff;
	v27 =	vadd.s32 v2, v10  }
0x11c: {  	v24 =	vadd.s32 v2, v8;
	v22 =	vmov s31;
	v18 =	vld.idx.msk [tilespmem:v25+s14+$0x0], $0xffff;
	[tilespmem:s24+$0xFFFFFF90] =	vst v28  }
0x11d: {  	v25 =	vadd.s32 v6, v13;
	v19 =	vld.idx.msk [tilespmem:v19+s14+$0x0], $0xffff;
	[tilespmem:s24+$0x10] =	vst v23;
	v23 =	vand.u32 $0xFFFFFFFD, v22  }
0x11e: {  	v16 =	vadd.s32 v7, v16;
	v26 =	vld.idx.msk [tilespmem:v32+s14+$0x0], $0xffff;
	v23 =	vbroadcast v23, $0x0  }
0x11f: {  	s28 =	simm.s32 $0xA;
	s26 =	simm.s32 $0xC;
	v22 =	vld.idx.msk [tilespmem:v63+s14+$0x0], $0xffff;
	[tilespmem:s24+$0xFFFFFF10] =	vst v29  }
.LBB2_9:
0x120: {  	p0 =	slt.u32 s26, $0xC4;
	v28 =	vmov s28;
	v27 =	vld.idx.msk [tilespmem:v27+s14+$0x0], $0xffff;
	v29 =	vadd.s32 v3, v11;
	[tilespmem:s24+$0x90] =	vst v20  }
0x121: {  	v20 =	vand.u32 $0xFFFFFFFE, v28;
	v28 =	vadd.s32 v3, v9;
	v24 =	vld.idx.msk [tilespmem:v24+s14+$0x0], $0xffff;
	[tilespmem:s25+$0xD0] =	vst v17  }
0x122: {  	v17 =	vbroadcast v20, $0x0;
	v20 =	vadd.s32 v3, v10;
	[tilespmem:s25+$0xFFFFFFE0] =	vst v19;
	v19 =	vld.idx.msk [tilespmem:v25+s14+$0x0], $0xffff  }
0x123: {  	v16 =	vld.idx.msk [tilespmem:v16+s14+$0x0], $0xffff;
	[tilespmem:s25+$0x70] =	vst v21  }
0x124: {  	v21 =	vld.idx.msk [tilespmem:v23+s11+$0x0], $0xffff;
	[tilespmem:s24+$0x20] =	vst v22;
	v22 =	vadd.s32 v3, v8  }
0x125: {  	v25 =	vadd.s32 v7, v12;
	v12 =	vmov v10;
	[tilespmem:s24+$0xFFFFFFA0] =	vst v26;
	v23 =	vld.idx.msk [tilespmem:v29+s14+$0x0], $0xffff  }
0x126: {  	[tilespmem:s24+$0xFFFFFF20] =	vst v27;
	v26 =	vld.idx.msk [tilespmem:v28+s14+$0x0], $0xffff;
	v27 =	vadd.s32 v7, v13;
	v13 =	vmov v8  }
0x127: {  	v28 =	vadd.s32 v4, v11;
	v20 =	vld.idx.msk [tilespmem:v20+s14+$0x0], $0xffff;
	[tilespmem:s24+$0xA0] =	vst v24  }
0x128: {  	v24 =	vadd.s32 v4, v9;
	v17 =	vld.idx.msk [tilespmem:v17+s11+$0x0], $0xffff;
	[tilespmem:s25+$0xFFFFFF60] =	vst v18  }
0x129: {  	v8 =	vshll.u32 v15, $0x7;
	v15 =	vadd.s32 v4, v12;
	v18 =	vld.idx.msk [tilespmem:v22+s14+$0x0], $0xffff;
	[tilespmem:s25+$0xE0] =	vst v19  }
0x12a: {  	v19 =	vadd.s32 v0, v8;
	v22 =	vld.idx.msk [tilespmem:v25+s14+$0x0], $0xffff;
	[tilespmem:s25+$0xFFFFFFF0] =	vst v16  }
0x12b: {  	v10 =	vshll.u32 v14, $0x7;
	v14 =	vadd.s32 v4, v13;
	[tilespmem:s24+$0x30] =	vst v23;
	v16 =	vld.idx.msk [tilespmem:v27+s14+$0x0], $0xffff  }
0x12c: {  	v29 =	vshll.u32 v21, $0x7;
	v23 =	vadd.s32 v0, v10;
	[tilespmem:s24+$0xFFFFFFB0] =	vst v26;
	v21 =	vld.idx.msk [tilespmem:v28+s14+$0x0], $0xffff  }
0x12d: {  	v25 =	vadd.s32 v0, v29;
	[tilespmem:s24+$0xFFFFFF30] =	vst v20;
	v20 =	vld.idx.msk [tilespmem:v24+s14+$0x0], $0xffff  }
0x12e: {  	v24 =	vshll.u32 v17, $0x7;
	v17 =	vadd.s32 v5, v11;
	v15 =	vld.idx.msk [tilespmem:v15+s14+$0x0], $0xffff  }
0x12f: {  	v26 =	vadd.s32 v0, v24;
	v19 =	vld.idx.msk [tilespmem:v19+s14+$0x0], $0xffff;
	[tilespmem:s24+$0xB0] =	vst v18  }
0x130: {  	v18 =	vadd.s32 v5, v9;
	v14 =	vld.idx.msk [tilespmem:v14+s14+$0x0], $0xffff;
	[tilespmem:s25+$0xFFFFFF70] =	vst v22  }
0x131: {  	v27 =	vadd.s32 v5, v12;
	v22 =	vmov s26;
	v23 =	vld.idx.msk [tilespmem:v23+s14+$0x0], $0xffff;
	[tilespmem:s25+$0xF0] =	vst v16;
	s25 =	smov.u32 s24  }
0x132: {  	s28 =	sadd.s32 $0x3, s26;
	v16 =	vand.u32 $0xFFFFFFFC, v22;
	v22 =	vld.idx.msk [tilespmem:v25+s14+$0x0], $0xffff;
	[tilespmem:s24+$0x40] =	vst v21;
	v21 =	vadd.s32 v5, v13  }
0x133: {  	v16 =	vbroadcast v16, $0x0;
	v25 =	vmov s28;
	[tilespmem:s24+$0xFFFFFFC0] =	vst v20;
	v20 =	vld.idx.msk [tilespmem:v17+s14+$0x0], $0xffff  }
0x134: {  	v26 =	vld.idx.msk [tilespmem:v26+s14+$0x0], $0xffff;
	[tilespmem:s24+$0xFFFFFF40] =	vst v15  }
0x135: {  	v28 =	vadd.s32 v6, v11;
	v18 =	vld.idx.msk [tilespmem:v18+s14+$0x0], $0xffff  }
0x136: {  	v30 =	vadd.s32 v1, v24;
	v31 =	vld.idx.msk [tilespmem:v27+s14+$0x0], $0xffff;
	[tilespmem:s24+$0xC0] =	vst v14  }
0x137: {  	v27 =	vadd.s32 v1, v29;
	v17 =	vld.idx.msk [tilespmem:v21+s14+$0x0], $0xffff  }
0x138: {  	v21 =	vadd.s32 v1, v10;
	v15 =	vld.idx.msk [tilespmem:v25+s11+$0x0], $0xffff  }
0x139: {  	s24 =	sadd.s32 $0x200, s24;
	v14 =	vld.idx.msk [tilespmem:v16+s11+$0x0], $0xffff;
	v16 =	vadd.s32 v1, v8;
	[tilespmem:s25+$0x50] =	vst v20  }
0x13a: {  	v25 =	vadd.s32 v6, v9;
	[tilespmem:s24+$0x0] =	vst v26;
	v26 =	vld.idx.msk [tilespmem:v28+s14+$0x0], $0xffff  }
0x13b: {  	v28 =	vadd.s32 v6, v12;
	[tilespmem:s24+$0xFFFFFF80] =	vst v22;
	v22 =	vld.idx.msk [tilespmem:v30+s14+$0x0], $0xffff  }
0x13c: {  	[tilespmem:s24+$0xFFFFFF00] =	vst v23;
	v30 =	vld.idx.msk [tilespmem:v27+s14+$0x0], $0xffff;
	v23 =	vadd.s32 v7, v11;
	v11 =	vmov v24  }
0x13d: {  	v32 =	vld.idx.msk [tilespmem:v21+s14+$0x0], $0xffff;
	v33 =	vadd.s32 v2, v11;
	[tilespmem:s24+$0x80] =	vst v19  }
0x13e: {  	v34 =	vadd.s32 v2, v29;
	v20 =	vld.idx.msk [tilespmem:v16+s14+$0x0], $0xffff;
	[tilespmem:s25+$0xFFFFFFD0] =	vst v18  }
.Ltmp4:
0x13f: {  	s28 =	sadd.s32 $0x1, s26;
	v27 =	vadd.s32 v2, v10;
	[tilespmem:s25+$0xFFFFFF50] =	vst v31;
	v19 =	vld.idx.msk [tilespmem:v25+s14+$0x0], $0xffff;
	(pc) =	sbr.rel @p0 .LBB2_9-.Ltmp4, $4  }
0x140: {  	v24 =	vadd.s32 v2, v8;
	v16 =	vmov s28;
	v18 =	vld.idx.msk [tilespmem:v28+s14+$0x0], $0xffff;
	[tilespmem:s25+$0x60] =	vst v26  }
0x141: {  	v16 =	vand.u32 $0xFFFFFFFD, v16;
	v25 =	vadd.s32 v6, v13;
	[tilespmem:s24+$0x10] =	vst v22;
	v21 =	vld.idx.msk [tilespmem:v23+s14+$0x0], $0xffff  }
0x142: {  	v23 =	vbroadcast v16, $0x0;
	v16 =	vadd.s32 v7, v9;
	v9 =	vmov v29;
	[tilespmem:s24+$0xFFFFFF90] =	vst v30;
	v22 =	vld.idx.msk [tilespmem:v33+s14+$0x0], $0xffff  }
0x143: {  	s28 =	sadd.s32 $0x2, s26;
	s26 =	sadd.s32 $0x4, s26;
	[tilespmem:s24+$0xFFFFFF10] =	vst v32;
	v26 =	vld.idx.msk [tilespmem:v34+s14+$0x0], $0xffff  }
0x144: {  	_ =	sdelay $0x1  }
0x145: {  	v28 =	vmov s28  }
0x146: {  	v28 =	vand.u32 $0xFFFFFFFE, v28  }
0x147: {  	v27 =	vld.idx.msk [tilespmem:v27+s14+$0x0], $0xffff;
	[tilespmem:s24+$0x90] =	vst v20;
	v53 =	vadd.s32 v3, v11;
	v28 =	vbroadcast v28, $0x0  }
0x148: {  	[tilespmem:s25+$0xD0] =	vst v17;
	v23 =	vld.idx.msk [tilespmem:v23+s11+$0x0], $0xffff  }
0x149: {  	v54 =	vadd.s32 v3, v9;
	[tilespmem:s25+$0xFFFFFFE0] =	vst v19;
	v24 =	vld.idx.msk [tilespmem:v24+s14+$0x0], $0xffff  }
0x14a: {  	v12 =	vadd.s32 v7, v12;
	v55 =	vld.idx.msk [tilespmem:v25+s14+$0x0], $0xffff;
	[tilespmem:s25+$0xFFFFFF60] =	vst v18  }
0x14b: {  	v56 =	vadd.s32 v3, v10;
	v59 =	vld.idx.msk [tilespmem:v16+s14+$0x0], $0xffff;
	[tilespmem:s24+$0x20] =	vst v22  }
0x14c: {  	v58 =	vadd.s32 v3, v8;
	[tilespmem:s25+$0x70] =	vst v21;
	v20 =	vld.idx.msk [tilespmem:v53+s14+$0x0], $0xffff  }
0x14d: {  	v60 =	vadd.s32 v7, v13;
	v13 =	vshll.u32 v14, $0x7;
	[tilespmem:s24+$0xFFFFFFA0] =	vst v26;
	v57 =	vld.idx.msk [tilespmem:v28+s11+$0x0], $0xffff  }
0x14e: {  	v35 =	vadd.s32 v0, v13;
	[tilespmem:s24+$0xFFFFFF20] =	vst v27;
	v61 =	vld.idx.msk [tilespmem:v54+s14+$0x0], $0xffff  }
0x14f: {  	v29 =	vadd.s32 v4, v11;
	v32 =	vld.idx.msk [tilespmem:v12+s14+$0x0], $0xffff;
	[tilespmem:s24+$0xA0] =	vst v24  }
0x150: {  	v63 =	vadd.s32 v4, v9;
	v16 =	vshll.u32 v23, $0x7;
	v62 =	vld.idx.msk [tilespmem:v56+s14+$0x0], $0xffff;
	[tilespmem:s25+$0xE0] =	vst v55  }
0x151: {  	v12 =	vshll.u32 v15, $0x7;
	[tilespmem:s25+$0xFFFFFFF0] =	vst v59;
	v33 =	vadd.s32 v0, v16;
	v30 =	vld.idx.msk [tilespmem:v58+s14+$0x0], $0xffff  }
0x152: {  	v36 =	vadd.s32 v0, v12;
	v34 =	vld.idx.msk [tilespmem:v60+s14+$0x0], $0xffff;
	[tilespmem:s24+$0x30] =	vst v20;
	v17 =	vshll.u32 v57, $0x7  }
0x153: {  	[tilespmem:s24+$0xFFFFFFB0] =	vst v61;
	v20 =	vld.idx.msk [tilespmem:v35+s14+$0x0], $0xffff;
	v31 =	vadd.s32 v0, v17  }
0x154: {  	v38 =	vadd.s32 v4, v10;
	[tilespmem:s25+$0xFFFFFF70] =	vst v32;
	v37 =	vld.idx.msk [tilespmem:v29+s14+$0x0], $0xffff  }
0x155: {  	v40 =	vadd.s32 v4, v8;
	[tilespmem:s24+$0xFFFFFF30] =	vst v62;
	v39 =	vld.idx.msk [tilespmem:v63+s14+$0x0], $0xffff  }
0x156: {  	v45 =	vadd.s32 v1, v13;
	v14 =	vld.idx.msk [tilespmem:v33+s14+$0x0], $0xffff;
	[tilespmem:s24+$0xB0] =	vst v30  }
0x157: {  	s31 =	sadd.s32 $0x200, s24;
	v43 =	vadd.s32 v1, v16;
	v44 =	vld.idx.msk [tilespmem:v36+s14+$0x0], $0xffff;
	[tilespmem:s25+$0xF0] =	vst v34  }
0x158: {  	v47 =	vadd.s32 v1, v12;
	[tilespmem:s31+$0xFFFFFF00] =	vst v20;
	v41 =	vld.idx.msk [tilespmem:v31+s14+$0x0], $0xffff  }
0x159: {  	v46 =	vld.idx.msk [tilespmem:v38+s14+$0x0], $0xffff;
	v42 =	vadd.s32 v1, v17;
	[tilespmem:s24+$0x40] =	vst v37  }
0x15a: {  	v48 =	vadd.s32 v5, v11;
	v25 =	vld.idx.msk [tilespmem:v40+s14+$0x0], $0xffff;
	[tilespmem:s24+$0xFFFFFFC0] =	vst v39  }
0x15b: {  	v49 =	vadd.s32 v5, v9;
	[tilespmem:s31+$0xFFFFFF80] =	vst v14;
	v20 =	vld.idx.msk [tilespmem:v45+s14+$0x0], $0xffff  }
0x15c: {  	v54 =	vadd.s32 v2, v13;
	[tilespmem:s31+$0x80] =	vst v44;
	v15 =	vld.idx.msk [tilespmem:v43+s14+$0x0], $0xffff  }
0x15d: {  	v52 =	vadd.s32 v2, v16;
	v53 =	vld.idx.msk [tilespmem:v47+s14+$0x0], $0xffff;
	[tilespmem:s31+$0x0] =	vst v41  }
0x15e: {  	v56 =	vadd.s32 v2, v12;
	[tilespmem:s24+$0xFFFFFF40] =	vst v46;
	v50 =	vld.idx.msk [tilespmem:v42+s14+$0x0], $0xffff  }
0x15f: {  	v51 =	vadd.s32 v2, v17;
	v55 =	vld.idx.msk [tilespmem:v48+s14+$0x0], $0xffff;
	[tilespmem:s24+$0xC0] =	vst v25  }
0x160: {  	v57 =	vadd.s32 v5, v10;
	v18 =	vld.idx.msk [tilespmem:v49+s14+$0x0], $0xffff;
	[tilespmem:s31+$0xFFFFFF10] =	vst v20  }
0x161: {  	v58 =	vadd.s32 v6, v11;
	[tilespmem:s31+$0xFFFFFF90] =	vst v15;
	v62 =	vld.idx.msk [tilespmem:v54+s14+$0x0], $0xffff  }
0x162: {  	v29 =	vadd.s32 v3, v13;
	[tilespmem:s31+$0x90] =	vst v53;
	v60 =	vld.idx.msk [tilespmem:v52+s14+$0x0], $0xffff  }
0x163: {  	v63 =	vadd.s32 v3, v16;
	v28 =	vld.idx.msk [tilespmem:v56+s14+$0x0], $0xffff;
	[tilespmem:s31+$0x10] =	vst v50  }
0x164: {  	v31 =	vadd.s32 v3, v12;
	[tilespmem:s24+$0x50] =	vst v55;
	v59 =	vld.idx.msk [tilespmem:v51+s14+$0x0], $0xffff  }
0x165: {  	v61 =	vadd.s32 v3, v17;
	v30 =	vld.idx.msk [tilespmem:v57+s14+$0x0], $0xffff;
	[tilespmem:s24+$0xFFFFFFD0] =	vst v18  }
0x166: {  	v32 =	vadd.s32 v5, v8;
	v14 =	vld.idx.msk [tilespmem:v58+s14+$0x0], $0xffff;
	[tilespmem:s31+$0xFFFFFF20] =	vst v62  }
0x167: {  	v33 =	vadd.s32 v6, v9;
	[tilespmem:s31+$0xFFFFFFA0] =	vst v60;
	v37 =	vld.idx.msk [tilespmem:v29+s14+$0x0], $0xffff  }
0x168: {  	v39 =	vadd.s32 v4, v13;
	[tilespmem:s31+$0xA0] =	vst v28;
	v35 =	vld.idx.msk [tilespmem:v63+s14+$0x0], $0xffff  }
0x169: {  	v38 =	vadd.s32 v4, v16;
	v18 =	vld.idx.msk [tilespmem:v31+s14+$0x0], $0xffff;
	[tilespmem:s31+$0x20] =	vst v59  }
0x16a: {  	[tilespmem:s24+$0xFFFFFF50] =	vst v30;
	v41 =	vadd.s32 v4, v12;
	v34 =	vld.idx.msk [tilespmem:v61+s14+$0x0], $0xffff  }
0x16b: {  	v36 =	vadd.s32 v4, v17;
	v40 =	vld.idx.msk [tilespmem:v32+s14+$0x0], $0xffff;
	[tilespmem:s24+$0x60] =	vst v14  }
0x16c: {  	v43 =	vadd.s32 v6, v10;
	v15 =	vld.idx.msk [tilespmem:v33+s14+$0x0], $0xffff;
	[tilespmem:s31+$0xFFFFFF30] =	vst v37  }
0x16d: {  	v42 =	vadd.s32 v7, v11;
	[tilespmem:s31+$0xFFFFFFB0] =	vst v35;
	v47 =	vld.idx.msk [tilespmem:v39+s14+$0x0], $0xffff  }
0x16e: {  	v49 =	vadd.s32 v5, v13;
	[tilespmem:s31+$0xB0] =	vst v18;
	v45 =	vld.idx.msk [tilespmem:v38+s14+$0x0], $0xffff  }
0x16f: {  	v48 =	vadd.s32 v5, v16;
	v14 =	vld.idx.msk [tilespmem:v41+s14+$0x0], $0xffff;
	[tilespmem:s31+$0x30] =	vst v34  }
0x170: {  	[tilespmem:s24+$0xD0] =	vst v40;
	v50 =	vadd.s32 v5, v12;
	v44 =	vld.idx.msk [tilespmem:v36+s14+$0x0], $0xffff  }
0x171: {  	v46 =	vadd.s32 v5, v17;
	v19 =	vld.idx.msk [tilespmem:v43+s14+$0x0], $0xffff;
	[tilespmem:s24+$0xFFFFFFE0] =	vst v15  }
0x172: {  	v52 =	vadd.s32 v7, v9;
	v11 =	vld.idx.msk [tilespmem:v42+s14+$0x0], $0xffff;
	[tilespmem:s31+$0xFFFFFF40] =	vst v47  }
0x173: {  	v51 =	vadd.s32 v6, v8;
	[tilespmem:s31+$0xFFFFFFC0] =	vst v45;
	v54 =	vld.idx.msk [tilespmem:v49+s14+$0x0], $0xffff  }
0x174: {  	v57 =	vadd.s32 v6, v13;
	[tilespmem:s31+$0xC0] =	vst v14;
	v18 =	vld.idx.msk [tilespmem:v48+s14+$0x0], $0xffff  }
0x175: {  	v55 =	vadd.s32 v6, v16;
	v56 =	vld.idx.msk [tilespmem:v50+s14+$0x0], $0xffff;
	[tilespmem:s31+$0x40] =	vst v44  }
0x176: {  	[tilespmem:s24+$0xFFFFFF60] =	vst v19;
	v59 =	vadd.s32 v6, v12;
	v20 =	vld.idx.msk [tilespmem:v46+s14+$0x0], $0xffff  }
0x177: {  	v53 =	vadd.s32 v6, v17;
	v9 =	vld.idx.msk [tilespmem:v52+s14+$0x0], $0xffff;
	[tilespmem:s24+$0x70] =	vst v11  }
0x178: {  	v60 =	vadd.s32 v7, v10;
	v58 =	vld.idx.msk [tilespmem:v51+s14+$0x0], $0xffff;
	[tilespmem:s31+$0xFFFFFF50] =	vst v54  }
0x179: {  	v8 =	vadd.s32 v7, v8;
	[tilespmem:s31+$0xFFFFFFD0] =	vst v18;
	v15 =	vld.idx.msk [tilespmem:v57+s14+$0x0], $0xffff  }
0x17a: {  	v13 =	vadd.s32 v7, v13;
	[tilespmem:s31+$0xD0] =	vst v56;
	v14 =	vld.idx.msk [tilespmem:v55+s14+$0x0], $0xffff  }
0x17b: {  	v16 =	vadd.s32 v7, v16;
	v11 =	vld.idx.msk [tilespmem:v59+s14+$0x0], $0xffff;
	[tilespmem:s31+$0x50] =	vst v20  }
0x17c: {  	[tilespmem:s24+$0xFFFFFFF0] =	vst v9;
	v61 =	vadd.s32 v7, v12;
	v20 =	vld.idx.msk [tilespmem:v53+s14+$0x0], $0xffff  }
0x17d: {  	v17 =	vadd.s32 v7, v17;
	v10 =	vld.idx.msk [tilespmem:v60+s14+$0x0], $0xffff;
	[tilespmem:s24+$0xE0] =	vst v58  }
0x17e: {  	v8 =	vld.idx.msk [tilespmem:v8+s14+$0x0], $0xffff;
	[tilespmem:s31+$0xFFFFFF60] =	vst v15  }
0x17f: {  	[tilespmem:s31+$0xFFFFFFE0] =	vst v14;
	v63 =	vld.idx.msk [tilespmem:v13+s14+$0x0], $0xffff  }
0x180: {  	[tilespmem:s31+$0xE0] =	vst v11;
	v14 =	vld.idx.msk [tilespmem:v16+s14+$0x0], $0xffff  }
0x181: {  	v9 =	vld.idx.msk [tilespmem:v61+s14+$0x0], $0xffff;
	[tilespmem:s31+$0x60] =	vst v20  }
0x182: {  	s22 =	sadd.s32 $0x1, s22;
	[tilespmem:s24+$0xFFFFFF70] =	vst v10;
	v62 =	vld.idx.msk [tilespmem:v17+s14+$0x0], $0xffff  }
0x183: {  	p0 =	sne.s32 s22, $0x10;
	[tilespmem:s24+$0xF0] =	vst v8  }
.Ltmp5:
0x184: {  	[tilespmem:s31+$0xFFFFFF70] =	vst v63;
	(pc) =	sbr.rel @p0 .LBB2_2-.Ltmp5, $4  }
0x185: {  	s23 =	smul.u32 $0xC80, s23;
	[tilespmem:s31+$0xFFFFFFF0] =	vst v14  }
0x186: {  	[tilespmem:s31+$0xF0] =	vst v9  }
0x187: {  	s23 =	sadd.s32 s5, s23;
	[tilespmem:s31+$0x70] =	vst v62  }
0x188: {  	[hbm4b:s23+s7] =	stream.linear.scatter [tilespmem:s19], [sflag:$0x4], $0x6400, $0x38;
	[tilespmem:$0x19180] =	vst v63  }
0x189: {  	s21 =	sadd.s32 $0x1, s21  }
0x18a: {  	_ =	swait.ge [sflag:s20], $0x6400;
	p0 =	sne.s32 s21, s9  }
.Ltmp6:
0x18b: {  	[sflag:s20] =	ssyncset.done $0x0;
	(pc) =	sbr.rel @p0 .LBB2_1-.Ltmp6, $4  }
0x18c: {  	[sflag:s20] =	ssyncadd.s32 $0xFFFF9C00  }
0x18d: {  	_ =	swait.ge [sflag:s18], $0x6400  }
0x18e: {  	[sflag:s18] =	ssyncset.done $0x0  }
0x18f: {  	[sflag:s18] =	ssyncadd.s32 $0xFFFF9C00  }
0x190: {  	_ =	sfence.sel $0x180000  }
0x191: {  	[bflag:$0x0] =	sbarrier.arrive $0xFFFF  }
0x192: {  	p0 =	sne.s32 s0, $0x0;
	_ =	strace $0x90000047  }
0x193: {  	s0 =	sadd.s32 @!p0 $0x100000, s3;
	[bflag:$0x2] =	sbarrier.arrive $0xFFFF  }
0x194: {  	[sflag:s0] =	ssyncadd.tile.s32 @!p0 $0x1;
	_ =	shalt  }
.Lfunc_end2:
_tile_overlayer_lowered:
.L_overlay_start_2:
0x195: {  	(tag) =	ssettag $0x2  }
0x196: {  	s0 =	rddreg [dreg:$0x0];
	s2 =	stileid.u32  }
0x197: {  	s1 =	rddreg [dreg:$0x1];
	p0 =	sne.s32 s2, $0x0  }
0x198: {  	s3 =	rddreg [dreg:$0x2];
	[bflag:$0x3] =	sbarrier.arrive $0xFFFF;
	s2 =	simm.s32 @!p0 $0x1C05  }
0x199: {  	[timem:s3], [sflag:s2] =	dma.local @!p0 [hbm:s0], s1  }
0x19a: {  	s0 =	simm.s32 @!p0 $0x5  }
0x19b: {  	_ =	swait.ge @!p0 [sflag:s0], s1  }
0x19c: {  	s1 =	ssub.s32 @!p0 $0x0, s1;
	[sflag:s0] =	ssyncset.done @!p0 $0x0  }
0x19d: {  	[sflag:s0] =	ssyncadd.s32 @!p0 s1  }
0x19e: {  	[bflag:$0x3] =	sbarrier.arrive $0xFFFF  }
0x19f: {  	_ =	shalt  }

</sc_bundles>
